<compile_context>
chip_gen: v7x
topology: tpu7x:2x2x1
jax: 0.10.2.dev20260603
libtpu: 0.0.44.dev20260713+nightly
codegen_flags: <defaults>
</compile_context>

<pallas_src>
import functools

import jax
import jax.numpy as jnp
from jax import lax
from jax.experimental import pallas as pl
from jax.experimental.pallas import tpu as pltpu
from jax.experimental.pallas import tpu_sc as plsc

_NUM_CORES = 2
_NUM_SUBCORES = 16
_NW = _NUM_CORES * _NUM_SUBCORES
_CHUNK = 128


_VPAD = 1024


def _mlp_body(gf_ref, w1_ref, w2_ref, out_ref):
    h = jnp.maximum(
        jnp.dot(gf_ref[...], w1_ref[...], preferred_element_type=jnp.float32), 0.0
    )
    out_ref[pl.ds(0, gf_ref.shape[0]), :] = jnp.dot(
        h, w2_ref[...], preferred_element_type=jnp.float32
    )


def _build_table(graph_feats, W1, W2):
    d = W2.shape[1]
    return pl.pallas_call(
        _mlp_body,
        out_shape=jax.ShapeDtypeStruct((_VPAD, d), jnp.float32),
    )(graph_feats, W1, W2)


_NBUF = 5


@functools.cache
def _make_gather(B, D, n_chunks, V):
    b_per_w = n_chunks * _CHUNK
    n_rounds = n_chunks // _NBUF
    assert n_chunks % _NBUF == 0
    mesh = plsc.VectorSubcoreMesh(
        core_axis_name="c",
        subcore_axis_name="s",
        num_cores=_NUM_CORES,
        num_subcores=_NUM_SUBCORES,
    )

    @functools.partial(
        pl.kernel,
        mesh=mesh,
        out_type=jax.ShapeDtypeStruct((B, D), jnp.float32),
        scratch_types=[
            pltpu.VMEM((n_chunks, _CHUNK), jnp.int32),
            pltpu.VMEM((_NBUF, _CHUNK, D), jnp.float32),
            pltpu.VMEM_SHARED((V, D), jnp.float32),
            pltpu.SemaphoreType.DMA((_NBUF,)),
            pltpu.SemaphoreType.DMA((_NBUF,)),
            pltpu.SemaphoreType.DMA,
        ],
    )
    def gather_k(table_hbm, idx_hbm, out_hbm, idx_v, bufs, table_s, gsem, wsem, tsem):
        sid = lax.axis_index("s")
        wid = sid * _NUM_CORES + lax.axis_index("c")
        base = wid * b_per_w

        rows_per_tile = V // _NUM_SUBCORES
        tcopy = pltpu.make_async_copy(
            table_hbm.at[pl.ds(sid * rows_per_tile, rows_per_tile)],
            table_s.at[pl.ds(sid * rows_per_tile, rows_per_tile)],
            tsem,
        )
        tcopy.start()
        pltpu.sync_copy(idx_hbm.at[wid], idx_v)
        tcopy.wait()
        plsc.subcore_barrier()

        def start_gather(c, b):
            pltpu.make_async_copy(
                table_s.at[idx_v.at[c]], bufs.at[b], gsem.at[b]
            ).start()

        def wait_gather(b):
            pltpu.make_async_copy(
                table_s.at[idx_v.at[0]], bufs.at[b], gsem.at[b]
            ).wait()

        def start_write(c, b):
            pltpu.make_async_copy(
                bufs.at[b], out_hbm.at[pl.ds(base + c * _CHUNK, _CHUNK)], wsem.at[b]
            ).start()

        def wait_write(b):
            pltpu.make_async_copy(
                bufs.at[b], out_hbm.at[pl.ds(base, _CHUNK)], wsem.at[b]
            ).wait()

        for b in range(_NBUF):
            start_gather(b, b)
        for b in range(_NBUF):
            wait_gather(b)
            start_write(b, b)

        def body(i, carry):
            c0 = i * _NBUF
            for b in range(_NBUF):
                wait_write(b)
                start_gather(c0 + b, b)
            for b in range(_NBUF):
                wait_gather(b)
                start_write(c0 + b, b)
            return carry

        lax.fori_loop(1, n_rounds, body, 0)
        for b in range(_NBUF):
            wait_write(b)

    return gather_k


def kernel(sequences, graph_feats, W1, W2):
    batch, seq_len = sequences.shape
    d = W2.shape[1]
    table = _build_table(graph_feats, W1, W2)

    B = batch * seq_len
    n_chunks = B // (_NW * _CHUNK)
    idx = sequences.astype(jnp.int32).reshape(_NW, n_chunks, _CHUNK)
    out = _make_gather(B, d, n_chunks, table.shape[0])(table, idx)
    return out.reshape(batch, seq_len, d)

# --- scband reference (transcript-rebuilt; emitter-appended) ---
"""Pipeline reference for scband-residue-embedding-39822936768799 (READ-ONLY COPY).

The authoritative reference and input builder live on the scoring server;
editing this copy changes nothing except your own understanding.
"""

import jax, jax.numpy as jnp
import numpy as np

NUM_RESIDUES = 1000
EMBED_DIM = 128
FEAT_DIM = 64
HIDDEN_DIM = 256
BATCH = 1024
SEQ_LEN = 200


def setup_inputs(seed: int = 0) -> dict:
    key = jax.random.key(seed)
    k1, k2, k3, k4 = jax.random.split(key, 4)
    # Tokenized residue sequences (the TF layer does regex-split + hash-table lookup;
    # here sequences are already integer residue indices).
    sequences = jax.random.randint(k1, (BATCH, SEQ_LEN), 0, NUM_RESIDUES)
    # Per-residue molecular graph features (output of featurizer over SMILES graphs).
    graph_feats = jax.random.normal(k2, (NUM_RESIDUES, FEAT_DIM), dtype=jnp.float32)
    # Embedder (GraphModel) surrogate: 2-layer MLP weights producing residue embeddings.
    W1 = jax.random.normal(k3, (FEAT_DIM, HIDDEN_DIM), dtype=jnp.float32) * (1.0 / np.sqrt(FEAT_DIM))
    W2 = jax.random.normal(k4, (HIDDEN_DIM, EMBED_DIM), dtype=jnp.float32) * (1.0 / np.sqrt(HIDDEN_DIM))
    return {"sequences": sequences, "graph_feats": graph_feats, "W1": W1, "W2": W2}


def reference(sequences, graph_feats, W1, W2):
    # cache_and_get_embeddings(): run the embedder over all residue graphs to build
    # the embedding table [num_residues, embedding_dim].
    embeddings = jnp.maximum(graph_feats @ W1, 0.0) @ W2
    # mapping.lookup + tf.gather(embeddings, indices): embedding lookup per residue token.
    out = jnp.take(embeddings, sequences, axis=0)
    return out

if __name__ == "__main__":
    import jax
    _d = setup_inputs()
    print(jax.jit(kernel)(*tuple(_d.values())))

</pallas_src>

<mosaic_0001>
#map = affine_map<(d0, d1) -> (0, 0)>
#map1 = affine_map<(d0, d1) -> (0, 0, 0)>
module attributes {stable_mosaic.version = 14 : i64} {
  func.func @gather_k(%arg0: i32, %arg1: i32, %arg2: memref<1024x128xf32, #tpu.memory_space<hbm>>, %arg3: memref<32x50x128xi32, #tpu.memory_space<hbm>>, %arg4: memref<204800x128xf32, #tpu.memory_space<hbm>>, %arg5: memref<50x128xi32, #tpu.memory_space<vmem>>, %arg6: memref<5x128x128xf32, #tpu.memory_space<vmem>>, %arg7: memref<1024x128xf32, #tpu.memory_space<vmem_shared>>, %arg8: memref<5x!tpu.dma_semaphore, #tpu.memory_space<semaphore_mem>>, %arg9: memref<5x!tpu.dma_semaphore, #tpu.memory_space<semaphore_mem>>, %arg10: memref<!tpu.dma_semaphore, #tpu.memory_space<semaphore_mem>>) attributes {dimension_semantics = [#tpu.dimension_semantics<core_parallel>, #tpu.dimension_semantics<subcore_parallel>], iteration_bounds = array<i64: 2, 16>, scalar_prefetch = 0 : i64, scratch_operands = 6 : i64, tpu.core_type = #tpu.core_type<sc_vector_subcore>, window_params = [{transform_indices = #map}, {transform_indices = #map1}, {transform_indices = #map}]} {
    %mul3A = arith.constant 2 : i32
    %mul3A_0 = arith.muli %arg1, %mul3A : i32
    %add3A = arith.addi %mul3A_0, %arg0 : i32
    %mul3A_1 = arith.constant 6400 : i32
    %mul3A_2 = arith.muli %add3A, %mul3A_1 : i32
    %mul3A_3 = arith.constant 64 : i32
    %mul3A_4 = arith.muli %arg1, %mul3A_3 : i32
    %mul3A_5 = arith.constant 64 : i32
    %mul3A_6 = arith.muli %arg1, %mul3A_5 : i32
    %dma_start3A = arith.constant 0 : i32
    %dma_start3A_7 = tpu.memref_slice %arg7[%mul3A_6, %dma_start3A] : memref<1024x128xf32, #tpu.memory_space<vmem_shared>> -> memref<64x128xf32, #tpu.memory_space<vmem_shared>>
    %dma_start3A_8 = arith.constant 0 : i32
    %dma_start3A_9 = tpu.memref_slice %arg2[%mul3A_4, %dma_start3A_8] : memref<1024x128xf32, #tpu.memory_space<hbm>> -> memref<64x128xf32, #tpu.memory_space<hbm>>
    tpu.enqueue_dma source(%dma_start3A_9 : memref<64x128xf32, #tpu.memory_space<hbm>>) target(%dma_start3A_7 : memref<64x128xf32, #tpu.memory_space<vmem_shared>>) target_semaphore(%arg10 : memref<!tpu.dma_semaphore, #tpu.memory_space<semaphore_mem>>)
    "tpu.region"() ({
      %run_scoped3A = tpu.sem_alloc : memref<!tpu.dma_semaphore, #tpu.memory_space<semaphore_mem>>
      %dma_start3A_338 = arith.constant 0 : i32
      %dma_start3A_339 = arith.constant 0 : i32
      %dma_start3A_340 = tpu.memref_slice %arg3[%add3A, %dma_start3A_338, %dma_start3A_339] : memref<32x50x128xi32, #tpu.memory_space<hbm>> -> memref<1x50x128xi32, #tpu.memory_space<hbm>>
      %dma_start3A_341 = tpu.memref_squeeze %dma_start3A_340 : memref<1x50x128xi32, #tpu.memory_space<hbm>> -> memref<50x128xi32, #tpu.memory_space<hbm>>
      %dma_start3A_342 = arith.constant 0 : i32
      %dma_start3A_343 = arith.constant 0 : i32
      %dma_start3A_344 = tpu.memref_slice %arg3[%add3A, %dma_start3A_342, %dma_start3A_343] : memref<32x50x128xi32, #tpu.memory_space<hbm>> -> memref<1x50x128xi32, #tpu.memory_space<hbm>>
      %dma_start3A_345 = tpu.memref_squeeze %dma_start3A_344 : memref<1x50x128xi32, #tpu.memory_space<hbm>> -> memref<50x128xi32, #tpu.memory_space<hbm>>
      tpu.enqueue_dma source(%dma_start3A_345 : memref<50x128xi32, #tpu.memory_space<hbm>>) target(%arg5 : memref<50x128xi32, #tpu.memory_space<vmem>>) target_semaphore(%run_scoped3A : memref<!tpu.dma_semaphore, #tpu.memory_space<semaphore_mem>>)
      %dma_wait3A_346 = arith.constant 0 : i32
      %dma_wait3A_347 = arith.constant 0 : i32
      %dma_wait3A_348 = tpu.memref_slice %arg3[%add3A, %dma_wait3A_346, %dma_wait3A_347] : memref<32x50x128xi32, #tpu.memory_space<hbm>> -> memref<1x50x128xi32, #tpu.memory_space<hbm>>
      %dma_wait3A_349 = tpu.memref_squeeze %dma_wait3A_348 : memref<1x50x128xi32, #tpu.memory_space<hbm>> -> memref<50x128xi32, #tpu.memory_space<hbm>>
      %dma_wait3A_350 = arith.constant 0 : i32
      %dma_wait3A_351 = arith.constant 0 : i32
      %dma_wait3A_352 = tpu.memref_slice %arg3[%add3A, %dma_wait3A_350, %dma_wait3A_351] : memref<32x50x128xi32, #tpu.memory_space<hbm>> -> memref<1x50x128xi32, #tpu.memory_space<hbm>>
      %dma_wait3A_353 = tpu.memref_squeeze %dma_wait3A_352 : memref<1x50x128xi32, #tpu.memory_space<hbm>> -> memref<50x128xi32, #tpu.memory_space<hbm>>
      tpu.wait_dma2 semaphore(%run_scoped3A : memref<!tpu.dma_semaphore, #tpu.memory_space<semaphore_mem>>) src(%dma_wait3A_353 : memref<50x128xi32, #tpu.memory_space<hbm>>) dst(%arg5 : memref<50x128xi32, #tpu.memory_space<vmem>>)
      tpu.yield
    }) : () -> ()
    %dma_wait3A = arith.constant 0 : i32
    %dma_wait3A_10 = tpu.memref_slice %arg7[%mul3A_6, %dma_wait3A] : memref<1024x128xf32, #tpu.memory_space<vmem_shared>> -> memref<64x128xf32, #tpu.memory_space<vmem_shared>>
    %dma_wait3A_11 = arith.constant 0 : i32
    %dma_wait3A_12 = tpu.memref_slice %arg2[%mul3A_4, %dma_wait3A_11] : memref<1024x128xf32, #tpu.memory_space<hbm>> -> memref<64x128xf32, #tpu.memory_space<hbm>>
    tpu.wait_dma2 semaphore(%arg10 : memref<!tpu.dma_semaphore, #tpu.memory_space<semaphore_mem>>) src(%dma_wait3A_12 : memref<64x128xf32, #tpu.memory_space<hbm>>) dst(%dma_wait3A_10 : memref<64x128xf32, #tpu.memory_space<vmem_shared>>)
    %barrier3A = arith.constant 0 : index
    tpu.barrier barrier_id(%barrier3A)
    %dma_start3A_13 = arith.constant 0 : i32
    %dma_start3A_14 = arith.constant 0 : i32
    %dma_start3A_15 = arith.constant 0 : i32
    %dma_start3A_16 = arith.constant 0 : i32
    %dma_start3A_17 = arith.constant 0 : i32
    %dma_start3A_18 = tpu.memref_slice %arg6[%dma_start3A_14, %dma_start3A_16, %dma_start3A_17] : memref<5x128x128xf32, #tpu.memory_space<vmem>> -> memref<1x128x128xf32, #tpu.memory_space<vmem>>
    %dma_start3A_19 = tpu.memref_squeeze %dma_start3A_18 : memref<1x128x128xf32, #tpu.memory_space<vmem>> -> memref<128x128xf32, #tpu.memory_space<vmem>>
    %dma_start3A_20 = arith.constant 0 : i32
    %dma_start3A_21 = tpu.memref_slice %arg5[%dma_start3A_13, %dma_start3A_20] : memref<50x128xi32, #tpu.memory_space<vmem>> -> memref<1x128xi32, #tpu.memory_space<vmem>>
    %dma_start3A_22 = tpu.memref_squeeze %dma_start3A_21 : memref<1x128xi32, #tpu.memory_space<vmem>> -> memref<128xi32, #tpu.memory_space<vmem>>
    %dma_start3A_23 = arith.constant 0 : i32
    %dma_start3A_24 = arith.constant 0 : i32
    %dma_start3A_25 = tpu.memref_slice %arg7[%dma_start3A_23, %dma_start3A_24] : memref<1024x128xf32, #tpu.memory_space<vmem_shared>> -> memref<1024x128xf32, #tpu.memory_space<vmem_shared>>
    %dma_start3A_26 = tpu.memref_slice %arg8[%dma_start3A_15] : memref<5x!tpu.dma_semaphore, #tpu.memory_space<semaphore_mem>> -> memref<1x!tpu.dma_semaphore, #tpu.memory_space<semaphore_mem>>
    %dma_start3A_27 = tpu.memref_squeeze %dma_start3A_26 : memref<1x!tpu.dma_semaphore, #tpu.memory_space<semaphore_mem>> -> memref<!tpu.dma_semaphore, #tpu.memory_space<semaphore_mem>>
    tpu.enqueue_indirect_dma source(%dma_start3A_25 : memref<1024x128xf32, #tpu.memory_space<vmem_shared>>) target(%dma_start3A_19 : memref<128x128xf32, #tpu.memory_space<vmem>>) offsets(%dma_start3A_22 : memref<128xi32, #tpu.memory_space<vmem>>) semaphore(%dma_start3A_27 : memref<!tpu.dma_semaphore, #tpu.memory_space<semaphore_mem>>)
    %dma_start3A_28 = arith.constant 1 : i32
    %dma_start3A_29 = arith.constant 1 : i32
    %dma_start3A_30 = arith.constant 1 : i32
    %dma_start3A_31 = arith.constant 0 : i32
    %dma_start3A_32 = arith.constant 0 : i32
    %dma_start3A_33 = tpu.memref_slice %arg6[%dma_start3A_29, %dma_start3A_31, %dma_start3A_32] : memref<5x128x128xf32, #tpu.memory_space<vmem>> -> memref<1x128x128xf32, #tpu.memory_space<vmem>>
    %dma_start3A_34 = tpu.memref_squeeze %dma_start3A_33 : memref<1x128x128xf32, #tpu.memory_space<vmem>> -> memref<128x128xf32, #tpu.memory_space<vmem>>
    %dma_start3A_35 = arith.constant 0 : i32
    %dma_start3A_36 = tpu.memref_slice %arg5[%dma_start3A_28, %dma_start3A_35] : memref<50x128xi32, #tpu.memory_space<vmem>> -> memref<1x128xi32, #tpu.memory_space<vmem>>
    %dma_start3A_37 = tpu.memref_squeeze %dma_start3A_36 : memref<1x128xi32, #tpu.memory_space<vmem>> -> memref<128xi32, #tpu.memory_space<vmem>>
    %dma_start3A_38 = arith.constant 0 : i32
    %dma_start3A_39 = arith.constant 0 : i32
    %dma_start3A_40 = tpu.memref_slice %arg7[%dma_start3A_38, %dma_start3A_39] : memref<1024x128xf32, #tpu.memory_space<vmem_shared>> -> memref<1024x128xf32, #tpu.memory_space<vmem_shared>>
    %dma_start3A_41 = tpu.memref_slice %arg8[%dma_start3A_30] : memref<5x!tpu.dma_semaphore, #tpu.memory_space<semaphore_mem>> -> memref<1x!tpu.dma_semaphore, #tpu.memory_space<semaphore_mem>>
    %dma_start3A_42 = tpu.memref_squeeze %dma_start3A_41 : memref<1x!tpu.dma_semaphore, #tpu.memory_space<semaphore_mem>> -> memref<!tpu.dma_semaphore, #tpu.memory_space<semaphore_mem>>
    tpu.enqueue_indirect_dma source(%dma_start3A_40 : memref<1024x128xf32, #tpu.memory_space<vmem_shared>>) target(%dma_start3A_34 : memref<128x128xf32, #tpu.memory_space<vmem>>) offsets(%dma_start3A_37 : memref<128xi32, #tpu.memory_space<vmem>>) semaphore(%dma_start3A_42 : memref<!tpu.dma_semaphore, #tpu.memory_space<semaphore_mem>>)
    %dma_start3A_43 = arith.constant 2 : i32
    %dma_start3A_44 = arith.constant 2 : i32
    %dma_start3A_45 = arith.constant 2 : i32
    %dma_start3A_46 = arith.constant 0 : i32
    %dma_start3A_47 = arith.constant 0 : i32
    %dma_start3A_48 = tpu.memref_slice %arg6[%dma_start3A_44, %dma_start3A_46, %dma_start3A_47] : memref<5x128x128xf32, #tpu.memory_space<vmem>> -> memref<1x128x128xf32, #tpu.memory_space<vmem>>
    %dma_start3A_49 = tpu.memref_squeeze %dma_start3A_48 : memref<1x128x128xf32, #tpu.memory_space<vmem>> -> memref<128x128xf32, #tpu.memory_space<vmem>>
    %dma_start3A_50 = arith.constant 0 : i32
    %dma_start3A_51 = tpu.memref_slice %arg5[%dma_start3A_43, %dma_start3A_50] : memref<50x128xi32, #tpu.memory_space<vmem>> -> memref<1x128xi32, #tpu.memory_space<vmem>>
    %dma_start3A_52 = tpu.memref_squeeze %dma_start3A_51 : memref<1x128xi32, #tpu.memory_space<vmem>> -> memref<128xi32, #tpu.memory_space<vmem>>
    %dma_start3A_53 = arith.constant 0 : i32
    %dma_start3A_54 = arith.constant 0 : i32
    %dma_start3A_55 = tpu.memref_slice %arg7[%dma_start3A_53, %dma_start3A_54] : memref<1024x128xf32, #tpu.memory_space<vmem_shared>> -> memref<1024x128xf32, #tpu.memory_space<vmem_shared>>
    %dma_start3A_56 = tpu.memref_slice %arg8[%dma_start3A_45] : memref<5x!tpu.dma_semaphore, #tpu.memory_space<semaphore_mem>> -> memref<1x!tpu.dma_semaphore, #tpu.memory_space<semaphore_mem>>
    %dma_start3A_57 = tpu.memref_squeeze %dma_start3A_56 : memref<1x!tpu.dma_semaphore, #tpu.memory_space<semaphore_mem>> -> memref<!tpu.dma_semaphore, #tpu.memory_space<semaphore_mem>>
    tpu.enqueue_indirect_dma source(%dma_start3A_55 : memref<1024x128xf32, #tpu.memory_space<vmem_shared>>) target(%dma_start3A_49 : memref<128x128xf32, #tpu.memory_space<vmem>>) offsets(%dma_start3A_52 : memref<128xi32, #tpu.memory_space<vmem>>) semaphore(%dma_start3A_57 : memref<!tpu.dma_semaphore, #tpu.memory_space<semaphore_mem>>)
    %dma_start3A_58 = arith.constant 3 : i32
    %dma_start3A_59 = arith.constant 3 : i32
    %dma_start3A_60 = arith.constant 3 : i32
    %dma_start3A_61 = arith.constant 0 : i32
    %dma_start3A_62 = arith.constant 0 : i32
    %dma_start3A_63 = tpu.memref_slice %arg6[%dma_start3A_59, %dma_start3A_61, %dma_start3A_62] : memref<5x128x128xf32, #tpu.memory_space<vmem>> -> memref<1x128x128xf32, #tpu.memory_space<vmem>>
    %dma_start3A_64 = tpu.memref_squeeze %dma_start3A_63 : memref<1x128x128xf32, #tpu.memory_space<vmem>> -> memref<128x128xf32, #tpu.memory_space<vmem>>
    %dma_start3A_65 = arith.constant 0 : i32
    %dma_start3A_66 = tpu.memref_slice %arg5[%dma_start3A_58, %dma_start3A_65] : memref<50x128xi32, #tpu.memory_space<vmem>> -> memref<1x128xi32, #tpu.memory_space<vmem>>
    %dma_start3A_67 = tpu.memref_squeeze %dma_start3A_66 : memref<1x128xi32, #tpu.memory_space<vmem>> -> memref<128xi32, #tpu.memory_space<vmem>>
    %dma_start3A_68 = arith.constant 0 : i32
    %dma_start3A_69 = arith.constant 0 : i32
    %dma_start3A_70 = tpu.memref_slice %arg7[%dma_start3A_68, %dma_start3A_69] : memref<1024x128xf32, #tpu.memory_space<vmem_shared>> -> memref<1024x128xf32, #tpu.memory_space<vmem_shared>>
    %dma_start3A_71 = tpu.memref_slice %arg8[%dma_start3A_60] : memref<5x!tpu.dma_semaphore, #tpu.memory_space<semaphore_mem>> -> memref<1x!tpu.dma_semaphore, #tpu.memory_space<semaphore_mem>>
    %dma_start3A_72 = tpu.memref_squeeze %dma_start3A_71 : memref<1x!tpu.dma_semaphore, #tpu.memory_space<semaphore_mem>> -> memref<!tpu.dma_semaphore, #tpu.memory_space<semaphore_mem>>
    tpu.enqueue_indirect_dma source(%dma_start3A_70 : memref<1024x128xf32, #tpu.memory_space<vmem_shared>>) target(%dma_start3A_64 : memref<128x128xf32, #tpu.memory_space<vmem>>) offsets(%dma_start3A_67 : memref<128xi32, #tpu.memory_space<vmem>>) semaphore(%dma_start3A_72 : memref<!tpu.dma_semaphore, #tpu.memory_space<semaphore_mem>>)
    %dma_start3A_73 = arith.constant 4 : i32
    %dma_start3A_74 = arith.constant 4 : i32
    %dma_start3A_75 = arith.constant 4 : i32
    %dma_start3A_76 = arith.constant 0 : i32
    %dma_start3A_77 = arith.constant 0 : i32
    %dma_start3A_78 = tpu.memref_slice %arg6[%dma_start3A_74, %dma_start3A_76, %dma_start3A_77] : memref<5x128x128xf32, #tpu.memory_space<vmem>> -> memref<1x128x128xf32, #tpu.memory_space<vmem>>
    %dma_start3A_79 = tpu.memref_squeeze %dma_start3A_78 : memref<1x128x128xf32, #tpu.memory_space<vmem>> -> memref<128x128xf32, #tpu.memory_space<vmem>>
    %dma_start3A_80 = arith.constant 0 : i32
    %dma_start3A_81 = tpu.memref_slice %arg5[%dma_start3A_73, %dma_start3A_80] : memref<50x128xi32, #tpu.memory_space<vmem>> -> memref<1x128xi32, #tpu.memory_space<vmem>>
    %dma_start3A_82 = tpu.memref_squeeze %dma_start3A_81 : memref<1x128xi32, #tpu.memory_space<vmem>> -> memref<128xi32, #tpu.memory_space<vmem>>
    %dma_start3A_83 = arith.constant 0 : i32
    %dma_start3A_84 = arith.constant 0 : i32
    %dma_start3A_85 = tpu.memref_slice %arg7[%dma_start3A_83, %dma_start3A_84] : memref<1024x128xf32, #tpu.memory_space<vmem_shared>> -> memref<1024x128xf32, #tpu.memory_space<vmem_shared>>
    %dma_start3A_86 = tpu.memref_slice %arg8[%dma_start3A_75] : memref<5x!tpu.dma_semaphore, #tpu.memory_space<semaphore_mem>> -> memref<1x!tpu.dma_semaphore, #tpu.memory_space<semaphore_mem>>
    %dma_start3A_87 = tpu.memref_squeeze %dma_start3A_86 : memref<1x!tpu.dma_semaphore, #tpu.memory_space<semaphore_mem>> -> memref<!tpu.dma_semaphore, #tpu.memory_space<semaphore_mem>>
    tpu.enqueue_indirect_dma source(%dma_start3A_85 : memref<1024x128xf32, #tpu.memory_space<vmem_shared>>) target(%dma_start3A_79 : memref<128x128xf32, #tpu.memory_space<vmem>>) offsets(%dma_start3A_82 : memref<128xi32, #tpu.memory_space<vmem>>) semaphore(%dma_start3A_87 : memref<!tpu.dma_semaphore, #tpu.memory_space<semaphore_mem>>)
    %dma_wait3A_88 = arith.constant 0 : i32
    %dma_wait3A_89 = arith.constant 0 : i32
    %dma_wait3A_90 = arith.constant 0 : i32
    %dma_wait3A_91 = arith.constant 0 : i32
    %dma_wait3A_92 = arith.constant 0 : i32
    %dma_wait3A_93 = tpu.memref_slice %arg6[%dma_wait3A_89, %dma_wait3A_91, %dma_wait3A_92] : memref<5x128x128xf32, #tpu.memory_space<vmem>> -> memref<1x128x128xf32, #tpu.memory_space<vmem>>
    %dma_wait3A_94 = tpu.memref_squeeze %dma_wait3A_93 : memref<1x128x128xf32, #tpu.memory_space<vmem>> -> memref<128x128xf32, #tpu.memory_space<vmem>>
    %dma_wait3A_95 = arith.constant 0 : i32
    %dma_wait3A_96 = tpu.memref_slice %arg5[%dma_wait3A_88, %dma_wait3A_95] : memref<50x128xi32, #tpu.memory_space<vmem>> -> memref<1x128xi32, #tpu.memory_space<vmem>>
    %dma_wait3A_97 = tpu.memref_squeeze %dma_wait3A_96 : memref<1x128xi32, #tpu.memory_space<vmem>> -> memref<128xi32, #tpu.memory_space<vmem>>
    %dma_wait3A_98 = arith.constant 0 : i32
    %dma_wait3A_99 = arith.constant 0 : i32
    %dma_wait3A_100 = tpu.memref_slice %arg7[%dma_wait3A_98, %dma_wait3A_99] : memref<1024x128xf32, #tpu.memory_space<vmem_shared>> -> memref<1024x128xf32, #tpu.memory_space<vmem_shared>>
    %dma_wait3A_101 = tpu.memref_slice %arg8[%dma_wait3A_90] : memref<5x!tpu.dma_semaphore, #tpu.memory_space<semaphore_mem>> -> memref<1x!tpu.dma_semaphore, #tpu.memory_space<semaphore_mem>>
    %dma_wait3A_102 = tpu.memref_squeeze %dma_wait3A_101 : memref<1x!tpu.dma_semaphore, #tpu.memory_space<semaphore_mem>> -> memref<!tpu.dma_semaphore, #tpu.memory_space<semaphore_mem>>
    tpu.wait_indirect_dma semaphore(%dma_wait3A_102 : memref<!tpu.dma_semaphore, #tpu.memory_space<semaphore_mem>>) src(%dma_wait3A_100 : memref<1024x128xf32, #tpu.memory_space<vmem_shared>>) dst(%dma_wait3A_94 : memref<128x128xf32, #tpu.memory_space<vmem>>)
    %add3A_103 = arith.constant 0 : i32
    %add3A_104 = arith.addi %mul3A_2, %add3A_103 : i32
    %dma_start3A_105 = arith.constant 0 : i32
    %dma_start3A_106 = arith.constant 0 : i32
    %dma_start3A_107 = arith.constant 0 : i32
    %dma_start3A_108 = arith.constant 0 : i32
    %dma_start3A_109 = tpu.memref_slice %arg6[%dma_start3A_105, %dma_start3A_107, %dma_start3A_108] : memref<5x128x128xf32, #tpu.memory_space<vmem>> -> memref<1x128x128xf32, #tpu.memory_space<vmem>>
    %dma_start3A_110 = tpu.memref_squeeze %dma_start3A_109 : memref<1x128x128xf32, #tpu.memory_space<vmem>> -> memref<128x128xf32, #tpu.memory_space<vmem>>
    %dma_start3A_111 = arith.constant 0 : i32
    %dma_start3A_112 = tpu.memref_slice %arg4[%add3A_104, %dma_start3A_111] : memref<204800x128xf32, #tpu.memory_space<hbm>> -> memref<128x128xf32, #tpu.memory_space<hbm>>
    %dma_start3A_113 = tpu.memref_slice %arg9[%dma_start3A_106] : memref<5x!tpu.dma_semaphore, #tpu.memory_space<semaphore_mem>> -> memref<1x!tpu.dma_semaphore, #tpu.memory_space<semaphore_mem>>
    %dma_start3A_114 = tpu.memref_squeeze %dma_start3A_113 : memref<1x!tpu.dma_semaphore, #tpu.memory_space<semaphore_mem>> -> memref<!tpu.dma_semaphore, #tpu.memory_space<semaphore_mem>>
    %dma_start3A_115 = arith.constant 0 : i32
    %dma_start3A_116 = tpu.memref_slice %arg4[%add3A_104, %dma_start3A_115] : memref<204800x128xf32, #tpu.memory_space<hbm>> -> memref<128x128xf32, #tpu.memory_space<hbm>>
    %dma_start3A_117 = arith.constant 0 : i32
    %dma_start3A_118 = arith.constant 0 : i32
    %dma_start3A_119 = tpu.memref_slice %arg6[%dma_start3A_105, %dma_start3A_117, %dma_start3A_118] : memref<5x128x128xf32, #tpu.memory_space<vmem>> -> memref<1x128x128xf32, #tpu.memory_space<vmem>>
    %dma_start3A_120 = tpu.memref_squeeze %dma_start3A_119 : memref<1x128x128xf32, #tpu.memory_space<vmem>> -> memref<128x128xf32, #tpu.memory_space<vmem>>
    tpu.enqueue_dma source(%dma_start3A_120 : memref<128x128xf32, #tpu.memory_space<vmem>>) target(%dma_start3A_116 : memref<128x128xf32, #tpu.memory_space<hbm>>) target_semaphore(%dma_start3A_114 : memref<!tpu.dma_semaphore, #tpu.memory_space<semaphore_mem>>)
    %dma_wait3A_121 = arith.constant 0 : i32
    %dma_wait3A_122 = arith.constant 1 : i32
    %dma_wait3A_123 = arith.constant 1 : i32
    %dma_wait3A_124 = arith.constant 0 : i32
    %dma_wait3A_125 = arith.constant 0 : i32
    %dma_wait3A_126 = tpu.memref_slice %arg6[%dma_wait3A_122, %dma_wait3A_124, %dma_wait3A_125] : memref<5x128x128xf32, #tpu.memory_space<vmem>> -> memref<1x128x128xf32, #tpu.memory_space<vmem>>
    %dma_wait3A_127 = tpu.memref_squeeze %dma_wait3A_126 : memref<1x128x128xf32, #tpu.memory_space<vmem>> -> memref<128x128xf32, #tpu.memory_space<vmem>>
    %dma_wait3A_128 = arith.constant 0 : i32
    %dma_wait3A_129 = tpu.memref_slice %arg5[%dma_wait3A_121, %dma_wait3A_128] : memref<50x128xi32, #tpu.memory_space<vmem>> -> memref<1x128xi32, #tpu.memory_space<vmem>>
    %dma_wait3A_130 = tpu.memref_squeeze %dma_wait3A_129 : memref<1x128xi32, #tpu.memory_space<vmem>> -> memref<128xi32, #tpu.memory_space<vmem>>
    %dma_wait3A_131 = arith.constant 0 : i32
    %dma_wait3A_132 = arith.constant 0 : i32
    %dma_wait3A_133 = tpu.memref_slice %arg7[%dma_wait3A_131, %dma_wait3A_132] : memref<1024x128xf32, #tpu.memory_space<vmem_shared>> -> memref<1024x128xf32, #tpu.memory_space<vmem_shared>>
    %dma_wait3A_134 = tpu.memref_slice %arg8[%dma_wait3A_123] : memref<5x!tpu.dma_semaphore, #tpu.memory_space<semaphore_mem>> -> memref<1x!tpu.dma_semaphore, #tpu.memory_space<semaphore_mem>>
    %dma_wait3A_135 = tpu.memref_squeeze %dma_wait3A_134 : memref<1x!tpu.dma_semaphore, #tpu.memory_space<semaphore_mem>> -> memref<!tpu.dma_semaphore, #tpu.memory_space<semaphore_mem>>
    tpu.wait_indirect_dma semaphore(%dma_wait3A_135 : memref<!tpu.dma_semaphore, #tpu.memory_space<semaphore_mem>>) src(%dma_wait3A_133 : memref<1024x128xf32, #tpu.memory_space<vmem_shared>>) dst(%dma_wait3A_127 : memref<128x128xf32, #tpu.memory_space<vmem>>)
    %add3A_136 = arith.constant 128 : i32
    %add3A_137 = arith.addi %mul3A_2, %add3A_136 : i32
    %dma_start3A_138 = arith.constant 1 : i32
    %dma_start3A_139 = arith.constant 1 : i32
    %dma_start3A_140 = arith.constant 0 : i32
    %dma_start3A_141 = arith.constant 0 : i32
    %dma_start3A_142 = tpu.memref_slice %arg6[%dma_start3A_138, %dma_start3A_140, %dma_start3A_141] : memref<5x128x128xf32, #tpu.memory_space<vmem>> -> memref<1x128x128xf32, #tpu.memory_space<vmem>>
    %dma_start3A_143 = tpu.memref_squeeze %dma_start3A_142 : memref<1x128x128xf32, #tpu.memory_space<vmem>> -> memref<128x128xf32, #tpu.memory_space<vmem>>
    %dma_start3A_144 = arith.constant 0 : i32
    %dma_start3A_145 = tpu.memref_slice %arg4[%add3A_137, %dma_start3A_144] : memref<204800x128xf32, #tpu.memory_space<hbm>> -> memref<128x128xf32, #tpu.memory_space<hbm>>
    %dma_start3A_146 = tpu.memref_slice %arg9[%dma_start3A_139] : memref<5x!tpu.dma_semaphore, #tpu.memory_space<semaphore_mem>> -> memref<1x!tpu.dma_semaphore, #tpu.memory_space<semaphore_mem>>
    %dma_start3A_147 = tpu.memref_squeeze %dma_start3A_146 : memref<1x!tpu.dma_semaphore, #tpu.memory_space<semaphore_mem>> -> memref<!tpu.dma_semaphore, #tpu.memory_space<semaphore_mem>>
    %dma_start3A_148 = arith.constant 0 : i32
    %dma_start3A_149 = tpu.memref_slice %arg4[%add3A_137, %dma_start3A_148] : memref<204800x128xf32, #tpu.memory_space<hbm>> -> memref<128x128xf32, #tpu.memory_space<hbm>>
    %dma_start3A_150 = arith.constant 0 : i32
    %dma_start3A_151 = arith.constant 0 : i32
    %dma_start3A_152 = tpu.memref_slice %arg6[%dma_start3A_138, %dma_start3A_150, %dma_start3A_151] : memref<5x128x128xf32, #tpu.memory_space<vmem>> -> memref<1x128x128xf32, #tpu.memory_space<vmem>>
    %dma_start3A_153 = tpu.memref_squeeze %dma_start3A_152 : memref<1x128x128xf32, #tpu.memory_space<vmem>> -> memref<128x128xf32, #tpu.memory_space<vmem>>
    tpu.enqueue_dma source(%dma_start3A_153 : memref<128x128xf32, #tpu.memory_space<vmem>>) target(%dma_start3A_149 : memref<128x128xf32, #tpu.memory_space<hbm>>) target_semaphore(%dma_start3A_147 : memref<!tpu.dma_semaphore, #tpu.memory_space<semaphore_mem>>)
    %dma_wait3A_154 = arith.constant 0 : i32
    %dma_wait3A_155 = arith.constant 2 : i32
    %dma_wait3A_156 = arith.constant 2 : i32
    %dma_wait3A_157 = arith.constant 0 : i32
    %dma_wait3A_158 = arith.constant 0 : i32
    %dma_wait3A_159 = tpu.memref_slice %arg6[%dma_wait3A_155, %dma_wait3A_157, %dma_wait3A_158] : memref<5x128x128xf32, #tpu.memory_space<vmem>> -> memref<1x128x128xf32, #tpu.memory_space<vmem>>
    %dma_wait3A_160 = tpu.memref_squeeze %dma_wait3A_159 : memref<1x128x128xf32, #tpu.memory_space<vmem>> -> memref<128x128xf32, #tpu.memory_space<vmem>>
    %dma_wait3A_161 = arith.constant 0 : i32
    %dma_wait3A_162 = tpu.memref_slice %arg5[%dma_wait3A_154, %dma_wait3A_161] : memref<50x128xi32, #tpu.memory_space<vmem>> -> memref<1x128xi32, #tpu.memory_space<vmem>>
    %dma_wait3A_163 = tpu.memref_squeeze %dma_wait3A_162 : memref<1x128xi32, #tpu.memory_space<vmem>> -> memref<128xi32, #tpu.memory_space<vmem>>
    %dma_wait3A_164 = arith.constant 0 : i32
    %dma_wait3A_165 = arith.constant 0 : i32
    %dma_wait3A_166 = tpu.memref_slice %arg7[%dma_wait3A_164, %dma_wait3A_165] : memref<1024x128xf32, #tpu.memory_space<vmem_shared>> -> memref<1024x128xf32, #tpu.memory_space<vmem_shared>>
    %dma_wait3A_167 = tpu.memref_slice %arg8[%dma_wait3A_156] : memref<5x!tpu.dma_semaphore, #tpu.memory_space<semaphore_mem>> -> memref<1x!tpu.dma_semaphore, #tpu.memory_space<semaphore_mem>>
    %dma_wait3A_168 = tpu.memref_squeeze %dma_wait3A_167 : memref<1x!tpu.dma_semaphore, #tpu.memory_space<semaphore_mem>> -> memref<!tpu.dma_semaphore, #tpu.memory_space<semaphore_mem>>
    tpu.wait_indirect_dma semaphore(%dma_wait3A_168 : memref<!tpu.dma_semaphore, #tpu.memory_space<semaphore_mem>>) src(%dma_wait3A_166 : memref<1024x128xf32, #tpu.memory_space<vmem_shared>>) dst(%dma_wait3A_160 : memref<128x128xf32, #tpu.memory_space<vmem>>)
    %add3A_169 = arith.constant 256 : i32
    %add3A_170 = arith.addi %mul3A_2, %add3A_169 : i32
    %dma_start3A_171 = arith.constant 2 : i32
    %dma_start3A_172 = arith.constant 2 : i32
    %dma_start3A_173 = arith.constant 0 : i32
    %dma_start3A_174 = arith.constant 0 : i32
    %dma_start3A_175 = tpu.memref_slice %arg6[%dma_start3A_171, %dma_start3A_173, %dma_start3A_174] : memref<5x128x128xf32, #tpu.memory_space<vmem>> -> memref<1x128x128xf32, #tpu.memory_space<vmem>>
    %dma_start3A_176 = tpu.memref_squeeze %dma_start3A_175 : memref<1x128x128xf32, #tpu.memory_space<vmem>> -> memref<128x128xf32, #tpu.memory_space<vmem>>
    %dma_start3A_177 = arith.constant 0 : i32
    %dma_start3A_178 = tpu.memref_slice %arg4[%add3A_170, %dma_start3A_177] : memref<204800x128xf32, #tpu.memory_space<hbm>> -> memref<128x128xf32, #tpu.memory_space<hbm>>
    %dma_start3A_179 = tpu.memref_slice %arg9[%dma_start3A_172] : memref<5x!tpu.dma_semaphore, #tpu.memory_space<semaphore_mem>> -> memref<1x!tpu.dma_semaphore, #tpu.memory_space<semaphore_mem>>
    %dma_start3A_180 = tpu.memref_squeeze %dma_start3A_179 : memref<1x!tpu.dma_semaphore, #tpu.memory_space<semaphore_mem>> -> memref<!tpu.dma_semaphore, #tpu.memory_space<semaphore_mem>>
    %dma_start3A_181 = arith.constant 0 : i32
    %dma_start3A_182 = tpu.memref_slice %arg4[%add3A_170, %dma_start3A_181] : memref<204800x128xf32, #tpu.memory_space<hbm>> -> memref<128x128xf32, #tpu.memory_space<hbm>>
    %dma_start3A_183 = arith.constant 0 : i32
    %dma_start3A_184 = arith.constant 0 : i32
    %dma_start3A_185 = tpu.memref_slice %arg6[%dma_start3A_171, %dma_start3A_183, %dma_start3A_184] : memref<5x128x128xf32, #tpu.memory_space<vmem>> -> memref<1x128x128xf32, #tpu.memory_space<vmem>>
    %dma_start3A_186 = tpu.memref_squeeze %dma_start3A_185 : memref<1x128x128xf32, #tpu.memory_space<vmem>> -> memref<128x128xf32, #tpu.memory_space<vmem>>
    tpu.enqueue_dma source(%dma_start3A_186 : memref<128x128xf32, #tpu.memory_space<vmem>>) target(%dma_start3A_182 : memref<128x128xf32, #tpu.memory_space<hbm>>) target_semaphore(%dma_start3A_180 : memref<!tpu.dma_semaphore, #tpu.memory_space<semaphore_mem>>)
    %dma_wait3A_187 = arith.constant 0 : i32
    %dma_wait3A_188 = arith.constant 3 : i32
    %dma_wait3A_189 = arith.constant 3 : i32
    %dma_wait3A_190 = arith.constant 0 : i32
    %dma_wait3A_191 = arith.constant 0 : i32
    %dma_wait3A_192 = tpu.memref_slice %arg6[%dma_wait3A_188, %dma_wait3A_190, %dma_wait3A_191] : memref<5x128x128xf32, #tpu.memory_space<vmem>> -> memref<1x128x128xf32, #tpu.memory_space<vmem>>
    %dma_wait3A_193 = tpu.memref_squeeze %dma_wait3A_192 : memref<1x128x128xf32, #tpu.memory_space<vmem>> -> memref<128x128xf32, #tpu.memory_space<vmem>>
    %dma_wait3A_194 = arith.constant 0 : i32
    %dma_wait3A_195 = tpu.memref_slice %arg5[%dma_wait3A_187, %dma_wait3A_194] : memref<50x128xi32, #tpu.memory_space<vmem>> -> memref<1x128xi32, #tpu.memory_space<vmem>>
    %dma_wait3A_196 = tpu.memref_squeeze %dma_wait3A_195 : memref<1x128xi32, #tpu.memory_space<vmem>> -> memref<128xi32, #tpu.memory_space<vmem>>
    %dma_wait3A_197 = arith.constant 0 : i32
    %dma_wait3A_198 = arith.constant 0 : i32
    %dma_wait3A_199 = tpu.memref_slice %arg7[%dma_wait3A_197, %dma_wait3A_198] : memref<1024x128xf32, #tpu.memory_space<vmem_shared>> -> memref<1024x128xf32, #tpu.memory_space<vmem_shared>>
    %dma_wait3A_200 = tpu.memref_slice %arg8[%dma_wait3A_189] : memref<5x!tpu.dma_semaphore, #tpu.memory_space<semaphore_mem>> -> memref<1x!tpu.dma_semaphore, #tpu.memory_space<semaphore_mem>>
    %dma_wait3A_201 = tpu.memref_squeeze %dma_wait3A_200 : memref<1x!tpu.dma_semaphore, #tpu.memory_space<semaphore_mem>> -> memref<!tpu.dma_semaphore, #tpu.memory_space<semaphore_mem>>
    tpu.wait_indirect_dma semaphore(%dma_wait3A_201 : memref<!tpu.dma_semaphore, #tpu.memory_space<semaphore_mem>>) src(%dma_wait3A_199 : memref<1024x128xf32, #tpu.memory_space<vmem_shared>>) dst(%dma_wait3A_193 : memref<128x128xf32, #tpu.memory_space<vmem>>)
    %add3A_202 = arith.constant 384 : i32
    %add3A_203 = arith.addi %mul3A_2, %add3A_202 : i32
    %dma_start3A_204 = arith.constant 3 : i32
    %dma_start3A_205 = arith.constant 3 : i32
    %dma_start3A_206 = arith.constant 0 : i32
    %dma_start3A_207 = arith.constant 0 : i32
    %dma_start3A_208 = tpu.memref_slice %arg6[%dma_start3A_204, %dma_start3A_206, %dma_start3A_207] : memref<5x128x128xf32, #tpu.memory_space<vmem>> -> memref<1x128x128xf32, #tpu.memory_space<vmem>>
    %dma_start3A_209 = tpu.memref_squeeze %dma_start3A_208 : memref<1x128x128xf32, #tpu.memory_space<vmem>> -> memref<128x128xf32, #tpu.memory_space<vmem>>
    %dma_start3A_210 = arith.constant 0 : i32
    %dma_start3A_211 = tpu.memref_slice %arg4[%add3A_203, %dma_start3A_210] : memref<204800x128xf32, #tpu.memory_space<hbm>> -> memref<128x128xf32, #tpu.memory_space<hbm>>
    %dma_start3A_212 = tpu.memref_slice %arg9[%dma_start3A_205] : memref<5x!tpu.dma_semaphore, #tpu.memory_space<semaphore_mem>> -> memref<1x!tpu.dma_semaphore, #tpu.memory_space<semaphore_mem>>
    %dma_start3A_213 = tpu.memref_squeeze %dma_start3A_212 : memref<1x!tpu.dma_semaphore, #tpu.memory_space<semaphore_mem>> -> memref<!tpu.dma_semaphore, #tpu.memory_space<semaphore_mem>>
    %dma_start3A_214 = arith.constant 0 : i32
    %dma_start3A_215 = tpu.memref_slice %arg4[%add3A_203, %dma_start3A_214] : memref<204800x128xf32, #tpu.memory_space<hbm>> -> memref<128x128xf32, #tpu.memory_space<hbm>>
    %dma_start3A_216 = arith.constant 0 : i32
    %dma_start3A_217 = arith.constant 0 : i32
    %dma_start3A_218 = tpu.memref_slice %arg6[%dma_start3A_204, %dma_start3A_216, %dma_start3A_217] : memref<5x128x128xf32, #tpu.memory_space<vmem>> -> memref<1x128x128xf32, #tpu.memory_space<vmem>>
    %dma_start3A_219 = tpu.memref_squeeze %dma_start3A_218 : memref<1x128x128xf32, #tpu.memory_space<vmem>> -> memref<128x128xf32, #tpu.memory_space<vmem>>
    tpu.enqueue_dma source(%dma_start3A_219 : memref<128x128xf32, #tpu.memory_space<vmem>>) target(%dma_start3A_215 : memref<128x128xf32, #tpu.memory_space<hbm>>) target_semaphore(%dma_start3A_213 : memref<!tpu.dma_semaphore, #tpu.memory_space<semaphore_mem>>)
    %dma_wait3A_220 = arith.constant 0 : i32
    %dma_wait3A_221 = arith.constant 4 : i32
    %dma_wait3A_222 = arith.constant 4 : i32
    %dma_wait3A_223 = arith.constant 0 : i32
    %dma_wait3A_224 = arith.constant 0 : i32
    %dma_wait3A_225 = tpu.memref_slice %arg6[%dma_wait3A_221, %dma_wait3A_223, %dma_wait3A_224] : memref<5x128x128xf32, #tpu.memory_space<vmem>> -> memref<1x128x128xf32, #tpu.memory_space<vmem>>
    %dma_wait3A_226 = tpu.memref_squeeze %dma_wait3A_225 : memref<1x128x128xf32, #tpu.memory_space<vmem>> -> memref<128x128xf32, #tpu.memory_space<vmem>>
    %dma_wait3A_227 = arith.constant 0 : i32
    %dma_wait3A_228 = tpu.memref_slice %arg5[%dma_wait3A_220, %dma_wait3A_227] : memref<50x128xi32, #tpu.memory_space<vmem>> -> memref<1x128xi32, #tpu.memory_space<vmem>>
    %dma_wait3A_229 = tpu.memref_squeeze %dma_wait3A_228 : memref<1x128xi32, #tpu.memory_space<vmem>> -> memref<128xi32, #tpu.memory_space<vmem>>
    %dma_wait3A_230 = arith.constant 0 : i32
    %dma_wait3A_231 = arith.constant 0 : i32
    %dma_wait3A_232 = tpu.memref_slice %arg7[%dma_wait3A_230, %dma_wait3A_231] : memref<1024x128xf32, #tpu.memory_space<vmem_shared>> -> memref<1024x128xf32, #tpu.memory_space<vmem_shared>>
    %dma_wait3A_233 = tpu.memref_slice %arg8[%dma_wait3A_222] : memref<5x!tpu.dma_semaphore, #tpu.memory_space<semaphore_mem>> -> memref<1x!tpu.dma_semaphore, #tpu.memory_space<semaphore_mem>>
    %dma_wait3A_234 = tpu.memref_squeeze %dma_wait3A_233 : memref<1x!tpu.dma_semaphore, #tpu.memory_space<semaphore_mem>> -> memref<!tpu.dma_semaphore, #tpu.memory_space<semaphore_mem>>
    tpu.wait_indirect_dma semaphore(%dma_wait3A_234 : memref<!tpu.dma_semaphore, #tpu.memory_space<semaphore_mem>>) src(%dma_wait3A_232 : memref<1024x128xf32, #tpu.memory_space<vmem_shared>>) dst(%dma_wait3A_226 : memref<128x128xf32, #tpu.memory_space<vmem>>)
    %add3A_235 = arith.constant 512 : i32
    %add3A_236 = arith.addi %mul3A_2, %add3A_235 : i32
    %dma_start3A_237 = arith.constant 4 : i32
    %dma_start3A_238 = arith.constant 4 : i32
    %dma_start3A_239 = arith.constant 0 : i32
    %dma_start3A_240 = arith.constant 0 : i32
    %dma_start3A_241 = tpu.memref_slice %arg6[%dma_start3A_237, %dma_start3A_239, %dma_start3A_240] : memref<5x128x128xf32, #tpu.memory_space<vmem>> -> memref<1x128x128xf32, #tpu.memory_space<vmem>>
    %dma_start3A_242 = tpu.memref_squeeze %dma_start3A_241 : memref<1x128x128xf32, #tpu.memory_space<vmem>> -> memref<128x128xf32, #tpu.memory_space<vmem>>
    %dma_start3A_243 = arith.constant 0 : i32
    %dma_start3A_244 = tpu.memref_slice %arg4[%add3A_236, %dma_start3A_243] : memref<204800x128xf32, #tpu.memory_space<hbm>> -> memref<128x128xf32, #tpu.memory_space<hbm>>
    %dma_start3A_245 = tpu.memref_slice %arg9[%dma_start3A_238] : memref<5x!tpu.dma_semaphore, #tpu.memory_space<semaphore_mem>> -> memref<1x!tpu.dma_semaphore, #tpu.memory_space<semaphore_mem>>
    %dma_start3A_246 = tpu.memref_squeeze %dma_start3A_245 : memref<1x!tpu.dma_semaphore, #tpu.memory_space<semaphore_mem>> -> memref<!tpu.dma_semaphore, #tpu.memory_space<semaphore_mem>>
    %dma_start3A_247 = arith.constant 0 : i32
    %dma_start3A_248 = tpu.memref_slice %arg4[%add3A_236, %dma_start3A_247] : memref<204800x128xf32, #tpu.memory_space<hbm>> -> memref<128x128xf32, #tpu.memory_space<hbm>>
    %dma_start3A_249 = arith.constant 0 : i32
    %dma_start3A_250 = arith.constant 0 : i32
    %dma_start3A_251 = tpu.memref_slice %arg6[%dma_start3A_237, %dma_start3A_249, %dma_start3A_250] : memref<5x128x128xf32, #tpu.memory_space<vmem>> -> memref<1x128x128xf32, #tpu.memory_space<vmem>>
    %dma_start3A_252 = tpu.memref_squeeze %dma_start3A_251 : memref<1x128x128xf32, #tpu.memory_space<vmem>> -> memref<128x128xf32, #tpu.memory_space<vmem>>
    tpu.enqueue_dma source(%dma_start3A_252 : memref<128x128xf32, #tpu.memory_space<vmem>>) target(%dma_start3A_248 : memref<128x128xf32, #tpu.memory_space<hbm>>) target_semaphore(%dma_start3A_246 : memref<!tpu.dma_semaphore, #tpu.memory_space<semaphore_mem>>)
    %scan3A = arith.constant 0 : i32
    %scan3A_253 = arith.constant 1 : i32
    %scan3A_254 = arith.constant 9 : i32
    %scan3A_255 = arith.addi %scan3A_253, %scan3A_254 : i32
    %scan3A_256 = arith.constant 1 : i32
    scf.for %scan3A_338 = %scan3A_253 to %scan3A_255 step %scan3A_256  : i32 {
      %mul3A_339 = arith.constant 5 : i32
      %mul3A_340 = arith.muli %scan3A_338, %mul3A_339 : i32
      %dma_wait3A_341 = arith.constant 0 : i32
      %dma_wait3A_342 = arith.constant 0 : i32
      %dma_wait3A_343 = arith.constant 0 : i32
      %dma_wait3A_344 = arith.constant 0 : i32
      %dma_wait3A_345 = tpu.memref_slice %arg6[%dma_wait3A_341, %dma_wait3A_343, %dma_wait3A_344] : memref<5x128x128xf32, #tpu.memory_space<vmem>> -> memref<1x128x128xf32, #tpu.memory_space<vmem>>
      %dma_wait3A_346 = tpu.memref_squeeze %dma_wait3A_345 : memref<1x128x128xf32, #tpu.memory_space<vmem>> -> memref<128x128xf32, #tpu.memory_space<vmem>>
      %dma_wait3A_347 = arith.constant 0 : i32
      %dma_wait3A_348 = tpu.memref_slice %arg4[%mul3A_2, %dma_wait3A_347] : memref<204800x128xf32, #tpu.memory_space<hbm>> -> memref<128x128xf32, #tpu.memory_space<hbm>>
      %dma_wait3A_349 = tpu.memref_slice %arg9[%dma_wait3A_342] : memref<5x!tpu.dma_semaphore, #tpu.memory_space<semaphore_mem>> -> memref<1x!tpu.dma_semaphore, #tpu.memory_space<semaphore_mem>>
      %dma_wait3A_350 = tpu.memref_squeeze %dma_wait3A_349 : memref<1x!tpu.dma_semaphore, #tpu.memory_space<semaphore_mem>> -> memref<!tpu.dma_semaphore, #tpu.memory_space<semaphore_mem>>
      %dma_wait3A_351 = arith.constant 0 : i32
      %dma_wait3A_352 = tpu.memref_slice %arg4[%mul3A_2, %dma_wait3A_351] : memref<204800x128xf32, #tpu.memory_space<hbm>> -> memref<128x128xf32, #tpu.memory_space<hbm>>
      %dma_wait3A_353 = arith.constant 0 : i32
      %dma_wait3A_354 = arith.constant 0 : i32
      %dma_wait3A_355 = tpu.memref_slice %arg6[%dma_wait3A_341, %dma_wait3A_353, %dma_wait3A_354] : memref<5x128x128xf32, #tpu.memory_space<vmem>> -> memref<1x128x128xf32, #tpu.memory_space<vmem>>
      %dma_wait3A_356 = tpu.memref_squeeze %dma_wait3A_355 : memref<1x128x128xf32, #tpu.memory_space<vmem>> -> memref<128x128xf32, #tpu.memory_space<vmem>>
      tpu.wait_dma2 semaphore(%dma_wait3A_350 : memref<!tpu.dma_semaphore, #tpu.memory_space<semaphore_mem>>) src(%dma_wait3A_356 : memref<128x128xf32, #tpu.memory_space<vmem>>) dst(%dma_wait3A_352 : memref<128x128xf32, #tpu.memory_space<hbm>>)
      %add3A_357 = arith.constant 0 : i32
      %add3A_358 = arith.addi %mul3A_340, %add3A_357 : i32
      %dma_start3A_359 = arith.constant 0 : i32
      %dma_start3A_360 = arith.constant 0 : i32
      %dma_start3A_361 = arith.constant 0 : i32
      %dma_start3A_362 = arith.constant 0 : i32
      %dma_start3A_363 = tpu.memref_slice %arg6[%dma_start3A_359, %dma_start3A_361, %dma_start3A_362] : memref<5x128x128xf32, #tpu.memory_space<vmem>> -> memref<1x128x128xf32, #tpu.memory_space<vmem>>
      %dma_start3A_364 = tpu.memref_squeeze %dma_start3A_363 : memref<1x128x128xf32, #tpu.memory_space<vmem>> -> memref<128x128xf32, #tpu.memory_space<vmem>>
      %dma_start3A_365 = arith.constant 0 : i32
      %dma_start3A_366 = tpu.memref_slice %arg5[%add3A_358, %dma_start3A_365] : memref<50x128xi32, #tpu.memory_space<vmem>> -> memref<1x128xi32, #tpu.memory_space<vmem>>
      %dma_start3A_367 = tpu.memref_squeeze %dma_start3A_366 : memref<1x128xi32, #tpu.memory_space<vmem>> -> memref<128xi32, #tpu.memory_space<vmem>>
      %dma_start3A_368 = arith.constant 0 : i32
      %dma_start3A_369 = arith.constant 0 : i32
      %dma_start3A_370 = tpu.memref_slice %arg7[%dma_start3A_368, %dma_start3A_369] : memref<1024x128xf32, #tpu.memory_space<vmem_shared>> -> memref<1024x128xf32, #tpu.memory_space<vmem_shared>>
      %dma_start3A_371 = tpu.memref_slice %arg8[%dma_start3A_360] : memref<5x!tpu.dma_semaphore, #tpu.memory_space<semaphore_mem>> -> memref<1x!tpu.dma_semaphore, #tpu.memory_space<semaphore_mem>>
      %dma_start3A_372 = tpu.memref_squeeze %dma_start3A_371 : memref<1x!tpu.dma_semaphore, #tpu.memory_space<semaphore_mem>> -> memref<!tpu.dma_semaphore, #tpu.memory_space<semaphore_mem>>
      tpu.enqueue_indirect_dma source(%dma_start3A_370 : memref<1024x128xf32, #tpu.memory_space<vmem_shared>>) target(%dma_start3A_364 : memref<128x128xf32, #tpu.memory_space<vmem>>) offsets(%dma_start3A_367 : memref<128xi32, #tpu.memory_space<vmem>>) semaphore(%dma_start3A_372 : memref<!tpu.dma_semaphore, #tpu.memory_space<semaphore_mem>>)
      %dma_wait3A_373 = arith.constant 1 : i32
      %dma_wait3A_374 = arith.constant 1 : i32
      %dma_wait3A_375 = arith.constant 0 : i32
      %dma_wait3A_376 = arith.constant 0 : i32
      %dma_wait3A_377 = tpu.memref_slice %arg6[%dma_wait3A_373, %dma_wait3A_375, %dma_wait3A_376] : memref<5x128x128xf32, #tpu.memory_space<vmem>> -> memref<1x128x128xf32, #tpu.memory_space<vmem>>
      %dma_wait3A_378 = tpu.memref_squeeze %dma_wait3A_377 : memref<1x128x128xf32, #tpu.memory_space<vmem>> -> memref<128x128xf32, #tpu.memory_space<vmem>>
      %dma_wait3A_379 = arith.constant 0 : i32
      %dma_wait3A_380 = tpu.memref_slice %arg4[%mul3A_2, %dma_wait3A_379] : memref<204800x128xf32, #tpu.memory_space<hbm>> -> memref<128x128xf32, #tpu.memory_space<hbm>>
      %dma_wait3A_381 = tpu.memref_slice %arg9[%dma_wait3A_374] : memref<5x!tpu.dma_semaphore, #tpu.memory_space<semaphore_mem>> -> memref<1x!tpu.dma_semaphore, #tpu.memory_space<semaphore_mem>>
      %dma_wait3A_382 = tpu.memref_squeeze %dma_wait3A_381 : memref<1x!tpu.dma_semaphore, #tpu.memory_space<semaphore_mem>> -> memref<!tpu.dma_semaphore, #tpu.memory_space<semaphore_mem>>
      %dma_wait3A_383 = arith.constant 0 : i32
      %dma_wait3A_384 = tpu.memref_slice %arg4[%mul3A_2, %dma_wait3A_383] : memref<204800x128xf32, #tpu.memory_space<hbm>> -> memref<128x128xf32, #tpu.memory_space<hbm>>
      %dma_wait3A_385 = arith.constant 0 : i32
      %dma_wait3A_386 = arith.constant 0 : i32
      %dma_wait3A_387 = tpu.memref_slice %arg6[%dma_wait3A_373, %dma_wait3A_385, %dma_wait3A_386] : memref<5x128x128xf32, #tpu.memory_space<vmem>> -> memref<1x128x128xf32, #tpu.memory_space<vmem>>
      %dma_wait3A_388 = tpu.memref_squeeze %dma_wait3A_387 : memref<1x128x128xf32, #tpu.memory_space<vmem>> -> memref<128x128xf32, #tpu.memory_space<vmem>>
      tpu.wait_dma2 semaphore(%dma_wait3A_382 : memref<!tpu.dma_semaphore, #tpu.memory_space<semaphore_mem>>) src(%dma_wait3A_388 : memref<128x128xf32, #tpu.memory_space<vmem>>) dst(%dma_wait3A_384 : memref<128x128xf32, #tpu.memory_space<hbm>>)
      %add3A_389 = arith.constant 1 : i32
      %add3A_390 = arith.addi %mul3A_340, %add3A_389 : i32
      %dma_start3A_391 = arith.constant 1 : i32
      %dma_start3A_392 = arith.constant 1 : i32
      %dma_start3A_393 = arith.constant 0 : i32
      %dma_start3A_394 = arith.constant 0 : i32
      %dma_start3A_395 = tpu.memref_slice %arg6[%dma_start3A_391, %dma_start3A_393, %dma_start3A_394] : memref<5x128x128xf32, #tpu.memory_space<vmem>> -> memref<1x128x128xf32, #tpu.memory_space<vmem>>
      %dma_start3A_396 = tpu.memref_squeeze %dma_start3A_395 : memref<1x128x128xf32, #tpu.memory_space<vmem>> -> memref<128x128xf32, #tpu.memory_space<vmem>>
      %dma_start3A_397 = arith.constant 0 : i32
      %dma_start3A_398 = tpu.memref_slice %arg5[%add3A_390, %dma_start3A_397] : memref<50x128xi32, #tpu.memory_space<vmem>> -> memref<1x128xi32, #tpu.memory_space<vmem>>
      %dma_start3A_399 = tpu.memref_squeeze %dma_start3A_398 : memref<1x128xi32, #tpu.memory_space<vmem>> -> memref<128xi32, #tpu.memory_space<vmem>>
      %dma_start3A_400 = arith.constant 0 : i32
      %dma_start3A_401 = arith.constant 0 : i32
      %dma_start3A_402 = tpu.memref_slice %arg7[%dma_start3A_400, %dma_start3A_401] : memref<1024x128xf32, #tpu.memory_space<vmem_shared>> -> memref<1024x128xf32, #tpu.memory_space<vmem_shared>>
      %dma_start3A_403 = tpu.memref_slice %arg8[%dma_start3A_392] : memref<5x!tpu.dma_semaphore, #tpu.memory_space<semaphore_mem>> -> memref<1x!tpu.dma_semaphore, #tpu.memory_space<semaphore_mem>>
      %dma_start3A_404 = tpu.memref_squeeze %dma_start3A_403 : memref<1x!tpu.dma_semaphore, #tpu.memory_space<semaphore_mem>> -> memref<!tpu.dma_semaphore, #tpu.memory_space<semaphore_mem>>
      tpu.enqueue_indirect_dma source(%dma_start3A_402 : memref<1024x128xf32, #tpu.memory_space<vmem_shared>>) target(%dma_start3A_396 : memref<128x128xf32, #tpu.memory_space<vmem>>) offsets(%dma_start3A_399 : memref<128xi32, #tpu.memory_space<vmem>>) semaphore(%dma_start3A_404 : memref<!tpu.dma_semaphore, #tpu.memory_space<semaphore_mem>>)
      %dma_wait3A_405 = arith.constant 2 : i32
      %dma_wait3A_406 = arith.constant 2 : i32
      %dma_wait3A_407 = arith.constant 0 : i32
      %dma_wait3A_408 = arith.constant 0 : i32
      %dma_wait3A_409 = tpu.memref_slice %arg6[%dma_wait3A_405, %dma_wait3A_407, %dma_wait3A_408] : memref<5x128x128xf32, #tpu.memory_space<vmem>> -> memref<1x128x128xf32, #tpu.memory_space<vmem>>
      %dma_wait3A_410 = tpu.memref_squeeze %dma_wait3A_409 : memref<1x128x128xf32, #tpu.memory_space<vmem>> -> memref<128x128xf32, #tpu.memory_space<vmem>>
      %dma_wait3A_411 = arith.constant 0 : i32
      %dma_wait3A_412 = tpu.memref_slice %arg4[%mul3A_2, %dma_wait3A_411] : memref<204800x128xf32, #tpu.memory_space<hbm>> -> memref<128x128xf32, #tpu.memory_space<hbm>>
      %dma_wait3A_413 = tpu.memref_slice %arg9[%dma_wait3A_406] : memref<5x!tpu.dma_semaphore, #tpu.memory_space<semaphore_mem>> -> memref<1x!tpu.dma_semaphore, #tpu.memory_space<semaphore_mem>>
      %dma_wait3A_414 = tpu.memref_squeeze %dma_wait3A_413 : memref<1x!tpu.dma_semaphore, #tpu.memory_space<semaphore_mem>> -> memref<!tpu.dma_semaphore, #tpu.memory_space<semaphore_mem>>
      %dma_wait3A_415 = arith.constant 0 : i32
      %dma_wait3A_416 = tpu.memref_slice %arg4[%mul3A_2, %dma_wait3A_415] : memref<204800x128xf32, #tpu.memory_space<hbm>> -> memref<128x128xf32, #tpu.memory_space<hbm>>
      %dma_wait3A_417 = arith.constant 0 : i32
      %dma_wait3A_418 = arith.constant 0 : i32
      %dma_wait3A_419 = tpu.memref_slice %arg6[%dma_wait3A_405, %dma_wait3A_417, %dma_wait3A_418] : memref<5x128x128xf32, #tpu.memory_space<vmem>> -> memref<1x128x128xf32, #tpu.memory_space<vmem>>
      %dma_wait3A_420 = tpu.memref_squeeze %dma_wait3A_419 : memref<1x128x128xf32, #tpu.memory_space<vmem>> -> memref<128x128xf32, #tpu.memory_space<vmem>>
      tpu.wait_dma2 semaphore(%dma_wait3A_414 : memref<!tpu.dma_semaphore, #tpu.memory_space<semaphore_mem>>) src(%dma_wait3A_420 : memref<128x128xf32, #tpu.memory_space<vmem>>) dst(%dma_wait3A_416 : memref<128x128xf32, #tpu.memory_space<hbm>>)
      %add3A_421 = arith.constant 2 : i32
      %add3A_422 = arith.addi %mul3A_340, %add3A_421 : i32
      %dma_start3A_423 = arith.constant 2 : i32
      %dma_start3A_424 = arith.constant 2 : i32
      %dma_start3A_425 = arith.constant 0 : i32
      %dma_start3A_426 = arith.constant 0 : i32
      %dma_start3A_427 = tpu.memref_slice %arg6[%dma_start3A_423, %dma_start3A_425, %dma_start3A_426] : memref<5x128x128xf32, #tpu.memory_space<vmem>> -> memref<1x128x128xf32, #tpu.memory_space<vmem>>
      %dma_start3A_428 = tpu.memref_squeeze %dma_start3A_427 : memref<1x128x128xf32, #tpu.memory_space<vmem>> -> memref<128x128xf32, #tpu.memory_space<vmem>>
      %dma_start3A_429 = arith.constant 0 : i32
      %dma_start3A_430 = tpu.memref_slice %arg5[%add3A_422, %dma_start3A_429] : memref<50x128xi32, #tpu.memory_space<vmem>> -> memref<1x128xi32, #tpu.memory_space<vmem>>
      %dma_start3A_431 = tpu.memref_squeeze %dma_start3A_430 : memref<1x128xi32, #tpu.memory_space<vmem>> -> memref<128xi32, #tpu.memory_space<vmem>>
      %dma_start3A_432 = arith.constant 0 : i32
      %dma_start3A_433 = arith.constant 0 : i32
      %dma_start3A_434 = tpu.memref_slice %arg7[%dma_start3A_432, %dma_start3A_433] : memref<1024x128xf32, #tpu.memory_space<vmem_shared>> -> memref<1024x128xf32, #tpu.memory_space<vmem_shared>>
      %dma_start3A_435 = tpu.memref_slice %arg8[%dma_start3A_424] : memref<5x!tpu.dma_semaphore, #tpu.memory_space<semaphore_mem>> -> memref<1x!tpu.dma_semaphore, #tpu.memory_space<semaphore_mem>>
      %dma_start3A_436 = tpu.memref_squeeze %dma_start3A_435 : memref<1x!tpu.dma_semaphore, #tpu.memory_space<semaphore_mem>> -> memref<!tpu.dma_semaphore, #tpu.memory_space<semaphore_mem>>
      tpu.enqueue_indirect_dma source(%dma_start3A_434 : memref<1024x128xf32, #tpu.memory_space<vmem_shared>>) target(%dma_start3A_428 : memref<128x128xf32, #tpu.memory_space<vmem>>) offsets(%dma_start3A_431 : memref<128xi32, #tpu.memory_space<vmem>>) semaphore(%dma_start3A_436 : memref<!tpu.dma_semaphore, #tpu.memory_space<semaphore_mem>>)
      %dma_wait3A_437 = arith.constant 3 : i32
      %dma_wait3A_438 = arith.constant 3 : i32
      %dma_wait3A_439 = arith.constant 0 : i32
      %dma_wait3A_440 = arith.constant 0 : i32
      %dma_wait3A_441 = tpu.memref_slice %arg6[%dma_wait3A_437, %dma_wait3A_439, %dma_wait3A_440] : memref<5x128x128xf32, #tpu.memory_space<vmem>> -> memref<1x128x128xf32, #tpu.memory_space<vmem>>
      %dma_wait3A_442 = tpu.memref_squeeze %dma_wait3A_441 : memref<1x128x128xf32, #tpu.memory_space<vmem>> -> memref<128x128xf32, #tpu.memory_space<vmem>>
      %dma_wait3A_443 = arith.constant 0 : i32
      %dma_wait3A_444 = tpu.memref_slice %arg4[%mul3A_2, %dma_wait3A_443] : memref<204800x128xf32, #tpu.memory_space<hbm>> -> memref<128x128xf32, #tpu.memory_space<hbm>>
      %dma_wait3A_445 = tpu.memref_slice %arg9[%dma_wait3A_438] : memref<5x!tpu.dma_semaphore, #tpu.memory_space<semaphore_mem>> -> memref<1x!tpu.dma_semaphore, #tpu.memory_space<semaphore_mem>>
      %dma_wait3A_446 = tpu.memref_squeeze %dma_wait3A_445 : memref<1x!tpu.dma_semaphore, #tpu.memory_space<semaphore_mem>> -> memref<!tpu.dma_semaphore, #tpu.memory_space<semaphore_mem>>
      %dma_wait3A_447 = arith.constant 0 : i32
      %dma_wait3A_448 = tpu.memref_slice %arg4[%mul3A_2, %dma_wait3A_447] : memref<204800x128xf32, #tpu.memory_space<hbm>> -> memref<128x128xf32, #tpu.memory_space<hbm>>
      %dma_wait3A_449 = arith.constant 0 : i32
      %dma_wait3A_450 = arith.constant 0 : i32
      %dma_wait3A_451 = tpu.memref_slice %arg6[%dma_wait3A_437, %dma_wait3A_449, %dma_wait3A_450] : memref<5x128x128xf32, #tpu.memory_space<vmem>> -> memref<1x128x128xf32, #tpu.memory_space<vmem>>
      %dma_wait3A_452 = tpu.memref_squeeze %dma_wait3A_451 : memref<1x128x128xf32, #tpu.memory_space<vmem>> -> memref<128x128xf32, #tpu.memory_space<vmem>>
      tpu.wait_dma2 semaphore(%dma_wait3A_446 : memref<!tpu.dma_semaphore, #tpu.memory_space<semaphore_mem>>) src(%dma_wait3A_452 : memref<128x128xf32, #tpu.memory_space<vmem>>) dst(%dma_wait3A_448 : memref<128x128xf32, #tpu.memory_space<hbm>>)
      %add3A_453 = arith.constant 3 : i32
      %add3A_454 = arith.addi %mul3A_340, %add3A_453 : i32
      %dma_start3A_455 = arith.constant 3 : i32
      %dma_start3A_456 = arith.constant 3 : i32
      %dma_start3A_457 = arith.constant 0 : i32
      %dma_start3A_458 = arith.constant 0 : i32
      %dma_start3A_459 = tpu.memref_slice %arg6[%dma_start3A_455, %dma_start3A_457, %dma_start3A_458] : memref<5x128x128xf32, #tpu.memory_space<vmem>> -> memref<1x128x128xf32, #tpu.memory_space<vmem>>
      %dma_start3A_460 = tpu.memref_squeeze %dma_start3A_459 : memref<1x128x128xf32, #tpu.memory_space<vmem>> -> memref<128x128xf32, #tpu.memory_space<vmem>>
      %dma_start3A_461 = arith.constant 0 : i32
      %dma_start3A_462 = tpu.memref_slice %arg5[%add3A_454, %dma_start3A_461] : memref<50x128xi32, #tpu.memory_space<vmem>> -> memref<1x128xi32, #tpu.memory_space<vmem>>
      %dma_start3A_463 = tpu.memref_squeeze %dma_start3A_462 : memref<1x128xi32, #tpu.memory_space<vmem>> -> memref<128xi32, #tpu.memory_space<vmem>>
      %dma_start3A_464 = arith.constant 0 : i32
      %dma_start3A_465 = arith.constant 0 : i32
      %dma_start3A_466 = tpu.memref_slice %arg7[%dma_start3A_464, %dma_start3A_465] : memref<1024x128xf32, #tpu.memory_space<vmem_shared>> -> memref<1024x128xf32, #tpu.memory_space<vmem_shared>>
      %dma_start3A_467 = tpu.memref_slice %arg8[%dma_start3A_456] : memref<5x!tpu.dma_semaphore, #tpu.memory_space<semaphore_mem>> -> memref<1x!tpu.dma_semaphore, #tpu.memory_space<semaphore_mem>>
      %dma_start3A_468 = tpu.memref_squeeze %dma_start3A_467 : memref<1x!tpu.dma_semaphore, #tpu.memory_space<semaphore_mem>> -> memref<!tpu.dma_semaphore, #tpu.memory_space<semaphore_mem>>
      tpu.enqueue_indirect_dma source(%dma_start3A_466 : memref<1024x128xf32, #tpu.memory_space<vmem_shared>>) target(%dma_start3A_460 : memref<128x128xf32, #tpu.memory_space<vmem>>) offsets(%dma_start3A_463 : memref<128xi32, #tpu.memory_space<vmem>>) semaphore(%dma_start3A_468 : memref<!tpu.dma_semaphore, #tpu.memory_space<semaphore_mem>>)
      %dma_wait3A_469 = arith.constant 4 : i32
      %dma_wait3A_470 = arith.constant 4 : i32
      %dma_wait3A_471 = arith.constant 0 : i32
      %dma_wait3A_472 = arith.constant 0 : i32
      %dma_wait3A_473 = tpu.memref_slice %arg6[%dma_wait3A_469, %dma_wait3A_471, %dma_wait3A_472] : memref<5x128x128xf32, #tpu.memory_space<vmem>> -> memref<1x128x128xf32, #tpu.memory_space<vmem>>
      %dma_wait3A_474 = tpu.memref_squeeze %dma_wait3A_473 : memref<1x128x128xf32, #tpu.memory_space<vmem>> -> memref<128x128xf32, #tpu.memory_space<vmem>>
      %dma_wait3A_475 = arith.constant 0 : i32
      %dma_wait3A_476 = tpu.memref_slice %arg4[%mul3A_2, %dma_wait3A_475] : memref<204800x128xf32, #tpu.memory_space<hbm>> -> memref<128x128xf32, #tpu.memory_space<hbm>>
      %dma_wait3A_477 = tpu.memref_slice %arg9[%dma_wait3A_470] : memref<5x!tpu.dma_semaphore, #tpu.memory_space<semaphore_mem>> -> memref<1x!tpu.dma_semaphore, #tpu.memory_space<semaphore_mem>>
      %dma_wait3A_478 = tpu.memref_squeeze %dma_wait3A_477 : memref<1x!tpu.dma_semaphore, #tpu.memory_space<semaphore_mem>> -> memref<!tpu.dma_semaphore, #tpu.memory_space<semaphore_mem>>
      %dma_wait3A_479 = arith.constant 0 : i32
      %dma_wait3A_480 = tpu.memref_slice %arg4[%mul3A_2, %dma_wait3A_479] : memref<204800x128xf32, #tpu.memory_space<hbm>> -> memref<128x128xf32, #tpu.memory_space<hbm>>
      %dma_wait3A_481 = arith.constant 0 : i32
      %dma_wait3A_482 = arith.constant 0 : i32
      %dma_wait3A_483 = tpu.memref_slice %arg6[%dma_wait3A_469, %dma_wait3A_481, %dma_wait3A_482] : memref<5x128x128xf32, #tpu.memory_space<vmem>> -> memref<1x128x128xf32, #tpu.memory_space<vmem>>
      %dma_wait3A_484 = tpu.memref_squeeze %dma_wait3A_483 : memref<1x128x128xf32, #tpu.memory_space<vmem>> -> memref<128x128xf32, #tpu.memory_space<vmem>>
      tpu.wait_dma2 semaphore(%dma_wait3A_478 : memref<!tpu.dma_semaphore, #tpu.memory_space<semaphore_mem>>) src(%dma_wait3A_484 : memref<128x128xf32, #tpu.memory_space<vmem>>) dst(%dma_wait3A_480 : memref<128x128xf32, #tpu.memory_space<hbm>>)
      %add3A_485 = arith.constant 4 : i32
      %add3A_486 = arith.addi %mul3A_340, %add3A_485 : i32
      %dma_start3A_487 = arith.constant 4 : i32
      %dma_start3A_488 = arith.constant 4 : i32
      %dma_start3A_489 = arith.constant 0 : i32
      %dma_start3A_490 = arith.constant 0 : i32
      %dma_start3A_491 = tpu.memref_slice %arg6[%dma_start3A_487, %dma_start3A_489, %dma_start3A_490] : memref<5x128x128xf32, #tpu.memory_space<vmem>> -> memref<1x128x128xf32, #tpu.memory_space<vmem>>
      %dma_start3A_492 = tpu.memref_squeeze %dma_start3A_491 : memref<1x128x128xf32, #tpu.memory_space<vmem>> -> memref<128x128xf32, #tpu.memory_space<vmem>>
      %dma_start3A_493 = arith.constant 0 : i32
      %dma_start3A_494 = tpu.memref_slice %arg5[%add3A_486, %dma_start3A_493] : memref<50x128xi32, #tpu.memory_space<vmem>> -> memref<1x128xi32, #tpu.memory_space<vmem>>
      %dma_start3A_495 = tpu.memref_squeeze %dma_start3A_494 : memref<1x128xi32, #tpu.memory_space<vmem>> -> memref<128xi32, #tpu.memory_space<vmem>>
      %dma_start3A_496 = arith.constant 0 : i32
      %dma_start3A_497 = arith.constant 0 : i32
      %dma_start3A_498 = tpu.memref_slice %arg7[%dma_start3A_496, %dma_start3A_497] : memref<1024x128xf32, #tpu.memory_space<vmem_shared>> -> memref<1024x128xf32, #tpu.memory_space<vmem_shared>>
      %dma_start3A_499 = tpu.memref_slice %arg8[%dma_start3A_488] : memref<5x!tpu.dma_semaphore, #tpu.memory_space<semaphore_mem>> -> memref<1x!tpu.dma_semaphore, #tpu.memory_space<semaphore_mem>>
      %dma_start3A_500 = tpu.memref_squeeze %dma_start3A_499 : memref<1x!tpu.dma_semaphore, #tpu.memory_space<semaphore_mem>> -> memref<!tpu.dma_semaphore, #tpu.memory_space<semaphore_mem>>
      tpu.enqueue_indirect_dma source(%dma_start3A_498 : memref<1024x128xf32, #tpu.memory_space<vmem_shared>>) target(%dma_start3A_492 : memref<128x128xf32, #tpu.memory_space<vmem>>) offsets(%dma_start3A_495 : memref<128xi32, #tpu.memory_space<vmem>>) semaphore(%dma_start3A_500 : memref<!tpu.dma_semaphore, #tpu.memory_space<semaphore_mem>>)
      %dma_wait3A_501 = arith.constant 0 : i32
      %dma_wait3A_502 = arith.constant 0 : i32
      %dma_wait3A_503 = arith.constant 0 : i32
      %dma_wait3A_504 = arith.constant 0 : i32
      %dma_wait3A_505 = arith.constant 0 : i32
      %dma_wait3A_506 = tpu.memref_slice %arg6[%dma_wait3A_502, %dma_wait3A_504, %dma_wait3A_505] : memref<5x128x128xf32, #tpu.memory_space<vmem>> -> memref<1x128x128xf32, #tpu.memory_space<vmem>>
      %dma_wait3A_507 = tpu.memref_squeeze %dma_wait3A_506 : memref<1x128x128xf32, #tpu.memory_space<vmem>> -> memref<128x128xf32, #tpu.memory_space<vmem>>
      %dma_wait3A_508 = arith.constant 0 : i32
      %dma_wait3A_509 = tpu.memref_slice %arg5[%dma_wait3A_501, %dma_wait3A_508] : memref<50x128xi32, #tpu.memory_space<vmem>> -> memref<1x128xi32, #tpu.memory_space<vmem>>
      %dma_wait3A_510 = tpu.memref_squeeze %dma_wait3A_509 : memref<1x128xi32, #tpu.memory_space<vmem>> -> memref<128xi32, #tpu.memory_space<vmem>>
      %dma_wait3A_511 = arith.constant 0 : i32
      %dma_wait3A_512 = arith.constant 0 : i32
      %dma_wait3A_513 = tpu.memref_slice %arg7[%dma_wait3A_511, %dma_wait3A_512] : memref<1024x128xf32, #tpu.memory_space<vmem_shared>> -> memref<1024x128xf32, #tpu.memory_space<vmem_shared>>
      %dma_wait3A_514 = tpu.memref_slice %arg8[%dma_wait3A_503] : memref<5x!tpu.dma_semaphore, #tpu.memory_space<semaphore_mem>> -> memref<1x!tpu.dma_semaphore, #tpu.memory_space<semaphore_mem>>
      %dma_wait3A_515 = tpu.memref_squeeze %dma_wait3A_514 : memref<1x!tpu.dma_semaphore, #tpu.memory_space<semaphore_mem>> -> memref<!tpu.dma_semaphore, #tpu.memory_space<semaphore_mem>>
      tpu.wait_indirect_dma semaphore(%dma_wait3A_515 : memref<!tpu.dma_semaphore, #tpu.memory_space<semaphore_mem>>) src(%dma_wait3A_513 : memref<1024x128xf32, #tpu.memory_space<vmem_shared>>) dst(%dma_wait3A_507 : memref<128x128xf32, #tpu.memory_space<vmem>>)
      %add3A_516 = arith.constant 0 : i32
      %add3A_517 = arith.addi %mul3A_340, %add3A_516 : i32
      %mul3A_518 = arith.constant 128 : i32
      %mul3A_519 = arith.muli %add3A_517, %mul3A_518 : i32
      %add3A_520 = arith.addi %mul3A_2, %mul3A_519 : i32
      %dma_start3A_521 = arith.constant 0 : i32
      %dma_start3A_522 = arith.constant 0 : i32
      %dma_start3A_523 = arith.constant 0 : i32
      %dma_start3A_524 = arith.constant 0 : i32
      %dma_start3A_525 = tpu.memref_slice %arg6[%dma_start3A_521, %dma_start3A_523, %dma_start3A_524] : memref<5x128x128xf32, #tpu.memory_space<vmem>> -> memref<1x128x128xf32, #tpu.memory_space<vmem>>
      %dma_start3A_526 = tpu.memref_squeeze %dma_start3A_525 : memref<1x128x128xf32, #tpu.memory_space<vmem>> -> memref<128x128xf32, #tpu.memory_space<vmem>>
      %dma_start3A_527 = arith.constant 0 : i32
      %dma_start3A_528 = tpu.memref_slice %arg4[%add3A_520, %dma_start3A_527] : memref<204800x128xf32, #tpu.memory_space<hbm>> -> memref<128x128xf32, #tpu.memory_space<hbm>>
      %dma_start3A_529 = tpu.memref_slice %arg9[%dma_start3A_522] : memref<5x!tpu.dma_semaphore, #tpu.memory_space<semaphore_mem>> -> memref<1x!tpu.dma_semaphore, #tpu.memory_space<semaphore_mem>>
      %dma_start3A_530 = tpu.memref_squeeze %dma_start3A_529 : memref<1x!tpu.dma_semaphore, #tpu.memory_space<semaphore_mem>> -> memref<!tpu.dma_semaphore, #tpu.memory_space<semaphore_mem>>
      %dma_start3A_531 = arith.constant 0 : i32
      %dma_start3A_532 = tpu.memref_slice %arg4[%add3A_520, %dma_start3A_531] : memref<204800x128xf32, #tpu.memory_space<hbm>> -> memref<128x128xf32, #tpu.memory_space<hbm>>
      %dma_start3A_533 = arith.constant 0 : i32
      %dma_start3A_534 = arith.constant 0 : i32
      %dma_start3A_535 = tpu.memref_slice %arg6[%dma_start3A_521, %dma_start3A_533, %dma_start3A_534] : memref<5x128x128xf32, #tpu.memory_space<vmem>> -> memref<1x128x128xf32, #tpu.memory_space<vmem>>
      %dma_start3A_536 = tpu.memref_squeeze %dma_start3A_535 : memref<1x128x128xf32, #tpu.memory_space<vmem>> -> memref<128x128xf32, #tpu.memory_space<vmem>>
      tpu.enqueue_dma source(%dma_start3A_536 : memref<128x128xf32, #tpu.memory_space<vmem>>) target(%dma_start3A_532 : memref<128x128xf32, #tpu.memory_space<hbm>>) target_semaphore(%dma_start3A_530 : memref<!tpu.dma_semaphore, #tpu.memory_space<semaphore_mem>>)
      %dma_wait3A_537 = arith.constant 0 : i32
      %dma_wait3A_538 = arith.constant 1 : i32
      %dma_wait3A_539 = arith.constant 1 : i32
      %dma_wait3A_540 = arith.constant 0 : i32
      %dma_wait3A_541 = arith.constant 0 : i32
      %dma_wait3A_542 = tpu.memref_slice %arg6[%dma_wait3A_538, %dma_wait3A_540, %dma_wait3A_541] : memref<5x128x128xf32, #tpu.memory_space<vmem>> -> memref<1x128x128xf32, #tpu.memory_space<vmem>>
      %dma_wait3A_543 = tpu.memref_squeeze %dma_wait3A_542 : memref<1x128x128xf32, #tpu.memory_space<vmem>> -> memref<128x128xf32, #tpu.memory_space<vmem>>
      %dma_wait3A_544 = arith.constant 0 : i32
      %dma_wait3A_545 = tpu.memref_slice %arg5[%dma_wait3A_537, %dma_wait3A_544] : memref<50x128xi32, #tpu.memory_space<vmem>> -> memref<1x128xi32, #tpu.memory_space<vmem>>
      %dma_wait3A_546 = tpu.memref_squeeze %dma_wait3A_545 : memref<1x128xi32, #tpu.memory_space<vmem>> -> memref<128xi32, #tpu.memory_space<vmem>>
      %dma_wait3A_547 = arith.constant 0 : i32
      %dma_wait3A_548 = arith.constant 0 : i32
      %dma_wait3A_549 = tpu.memref_slice %arg7[%dma_wait3A_547, %dma_wait3A_548] : memref<1024x128xf32, #tpu.memory_space<vmem_shared>> -> memref<1024x128xf32, #tpu.memory_space<vmem_shared>>
      %dma_wait3A_550 = tpu.memref_slice %arg8[%dma_wait3A_539] : memref<5x!tpu.dma_semaphore, #tpu.memory_space<semaphore_mem>> -> memref<1x!tpu.dma_semaphore, #tpu.memory_space<semaphore_mem>>
      %dma_wait3A_551 = tpu.memref_squeeze %dma_wait3A_550 : memref<1x!tpu.dma_semaphore, #tpu.memory_space<semaphore_mem>> -> memref<!tpu.dma_semaphore, #tpu.memory_space<semaphore_mem>>
      tpu.wait_indirect_dma semaphore(%dma_wait3A_551 : memref<!tpu.dma_semaphore, #tpu.memory_space<semaphore_mem>>) src(%dma_wait3A_549 : memref<1024x128xf32, #tpu.memory_space<vmem_shared>>) dst(%dma_wait3A_543 : memref<128x128xf32, #tpu.memory_space<vmem>>)
      %add3A_552 = arith.constant 1 : i32
      %add3A_553 = arith.addi %mul3A_340, %add3A_552 : i32
      %mul3A_554 = arith.constant 128 : i32
      %mul3A_555 = arith.muli %add3A_553, %mul3A_554 : i32
      %add3A_556 = arith.addi %mul3A_2, %mul3A_555 : i32
      %dma_start3A_557 = arith.constant 1 : i32
      %dma_start3A_558 = arith.constant 1 : i32
      %dma_start3A_559 = arith.constant 0 : i32
      %dma_start3A_560 = arith.constant 0 : i32
      %dma_start3A_561 = tpu.memref_slice %arg6[%dma_start3A_557, %dma_start3A_559, %dma_start3A_560] : memref<5x128x128xf32, #tpu.memory_space<vmem>> -> memref<1x128x128xf32, #tpu.memory_space<vmem>>
      %dma_start3A_562 = tpu.memref_squeeze %dma_start3A_561 : memref<1x128x128xf32, #tpu.memory_space<vmem>> -> memref<128x128xf32, #tpu.memory_space<vmem>>
      %dma_start3A_563 = arith.constant 0 : i32
      %dma_start3A_564 = tpu.memref_slice %arg4[%add3A_556, %dma_start3A_563] : memref<204800x128xf32, #tpu.memory_space<hbm>> -> memref<128x128xf32, #tpu.memory_space<hbm>>
      %dma_start3A_565 = tpu.memref_slice %arg9[%dma_start3A_558] : memref<5x!tpu.dma_semaphore, #tpu.memory_space<semaphore_mem>> -> memref<1x!tpu.dma_semaphore, #tpu.memory_space<semaphore_mem>>
      %dma_start3A_566 = tpu.memref_squeeze %dma_start3A_565 : memref<1x!tpu.dma_semaphore, #tpu.memory_space<semaphore_mem>> -> memref<!tpu.dma_semaphore, #tpu.memory_space<semaphore_mem>>
      %dma_start3A_567 = arith.constant 0 : i32
      %dma_start3A_568 = tpu.memref_slice %arg4[%add3A_556, %dma_start3A_567] : memref<204800x128xf32, #tpu.memory_space<hbm>> -> memref<128x128xf32, #tpu.memory_space<hbm>>
      %dma_start3A_569 = arith.constant 0 : i32
      %dma_start3A_570 = arith.constant 0 : i32
      %dma_start3A_571 = tpu.memref_slice %arg6[%dma_start3A_557, %dma_start3A_569, %dma_start3A_570] : memref<5x128x128xf32, #tpu.memory_space<vmem>> -> memref<1x128x128xf32, #tpu.memory_space<vmem>>
      %dma_start3A_572 = tpu.memref_squeeze %dma_start3A_571 : memref<1x128x128xf32, #tpu.memory_space<vmem>> -> memref<128x128xf32, #tpu.memory_space<vmem>>
      tpu.enqueue_dma source(%dma_start3A_572 : memref<128x128xf32, #tpu.memory_space<vmem>>) target(%dma_start3A_568 : memref<128x128xf32, #tpu.memory_space<hbm>>) target_semaphore(%dma_start3A_566 : memref<!tpu.dma_semaphore, #tpu.memory_space<semaphore_mem>>)
      %dma_wait3A_573 = arith.constant 0 : i32
      %dma_wait3A_574 = arith.constant 2 : i32
      %dma_wait3A_575 = arith.constant 2 : i32
      %dma_wait3A_576 = arith.constant 0 : i32
      %dma_wait3A_577 = arith.constant 0 : i32
      %dma_wait3A_578 = tpu.memref_slice %arg6[%dma_wait3A_574, %dma_wait3A_576, %dma_wait3A_577] : memref<5x128x128xf32, #tpu.memory_space<vmem>> -> memref<1x128x128xf32, #tpu.memory_space<vmem>>
      %dma_wait3A_579 = tpu.memref_squeeze %dma_wait3A_578 : memref<1x128x128xf32, #tpu.memory_space<vmem>> -> memref<128x128xf32, #tpu.memory_space<vmem>>
      %dma_wait3A_580 = arith.constant 0 : i32
      %dma_wait3A_581 = tpu.memref_slice %arg5[%dma_wait3A_573, %dma_wait3A_580] : memref<50x128xi32, #tpu.memory_space<vmem>> -> memref<1x128xi32, #tpu.memory_space<vmem>>
      %dma_wait3A_582 = tpu.memref_squeeze %dma_wait3A_581 : memref<1x128xi32, #tpu.memory_space<vmem>> -> memref<128xi32, #tpu.memory_space<vmem>>
      %dma_wait3A_583 = arith.constant 0 : i32
      %dma_wait3A_584 = arith.constant 0 : i32
      %dma_wait3A_585 = tpu.memref_slice %arg7[%dma_wait3A_583, %dma_wait3A_584] : memref<1024x128xf32, #tpu.memory_space<vmem_shared>> -> memref<1024x128xf32, #tpu.memory_space<vmem_shared>>
      %dma_wait3A_586 = tpu.memref_slice %arg8[%dma_wait3A_575] : memref<5x!tpu.dma_semaphore, #tpu.memory_space<semaphore_mem>> -> memref<1x!tpu.dma_semaphore, #tpu.memory_space<semaphore_mem>>
      %dma_wait3A_587 = tpu.memref_squeeze %dma_wait3A_586 : memref<1x!tpu.dma_semaphore, #tpu.memory_space<semaphore_mem>> -> memref<!tpu.dma_semaphore, #tpu.memory_space<semaphore_mem>>
      tpu.wait_indirect_dma semaphore(%dma_wait3A_587 : memref<!tpu.dma_semaphore, #tpu.memory_space<semaphore_mem>>) src(%dma_wait3A_585 : memref<1024x128xf32, #tpu.memory_space<vmem_shared>>) dst(%dma_wait3A_579 : memref<128x128xf32, #tpu.memory_space<vmem>>)
      %add3A_588 = arith.constant 2 : i32
      %add3A_589 = arith.addi %mul3A_340, %add3A_588 : i32
      %mul3A_590 = arith.constant 128 : i32
      %mul3A_591 = arith.muli %add3A_589, %mul3A_590 : i32
      %add3A_592 = arith.addi %mul3A_2, %mul3A_591 : i32
      %dma_start3A_593 = arith.constant 2 : i32
      %dma_start3A_594 = arith.constant 2 : i32
      %dma_start3A_595 = arith.constant 0 : i32
      %dma_start3A_596 = arith.constant 0 : i32
      %dma_start3A_597 = tpu.memref_slice %arg6[%dma_start3A_593, %dma_start3A_595, %dma_start3A_596] : memref<5x128x128xf32, #tpu.memory_space<vmem>> -> memref<1x128x128xf32, #tpu.memory_space<vmem>>
      %dma_start3A_598 = tpu.memref_squeeze %dma_start3A_597 : memref<1x128x128xf32, #tpu.memory_space<vmem>> -> memref<128x128xf32, #tpu.memory_space<vmem>>
      %dma_start3A_599 = arith.constant 0 : i32
      %dma_start3A_600 = tpu.memref_slice %arg4[%add3A_592, %dma_start3A_599] : memref<204800x128xf32, #tpu.memory_space<hbm>> -> memref<128x128xf32, #tpu.memory_space<hbm>>
      %dma_start3A_601 = tpu.memref_slice %arg9[%dma_start3A_594] : memref<5x!tpu.dma_semaphore, #tpu.memory_space<semaphore_mem>> -> memref<1x!tpu.dma_semaphore, #tpu.memory_space<semaphore_mem>>
      %dma_start3A_602 = tpu.memref_squeeze %dma_start3A_601 : memref<1x!tpu.dma_semaphore, #tpu.memory_space<semaphore_mem>> -> memref<!tpu.dma_semaphore, #tpu.memory_space<semaphore_mem>>
      %dma_start3A_603 = arith.constant 0 : i32
      %dma_start3A_604 = tpu.memref_slice %arg4[%add3A_592, %dma_start3A_603] : memref<204800x128xf32, #tpu.memory_space<hbm>> -> memref<128x128xf32, #tpu.memory_space<hbm>>
      %dma_start3A_605 = arith.constant 0 : i32
      %dma_start3A_606 = arith.constant 0 : i32
      %dma_start3A_607 = tpu.memref_slice %arg6[%dma_start3A_593, %dma_start3A_605, %dma_start3A_606] : memref<5x128x128xf32, #tpu.memory_space<vmem>> -> memref<1x128x128xf32, #tpu.memory_space<vmem>>
      %dma_start3A_608 = tpu.memref_squeeze %dma_start3A_607 : memref<1x128x128xf32, #tpu.memory_space<vmem>> -> memref<128x128xf32, #tpu.memory_space<vmem>>
      tpu.enqueue_dma source(%dma_start3A_608 : memref<128x128xf32, #tpu.memory_space<vmem>>) target(%dma_start3A_604 : memref<128x128xf32, #tpu.memory_space<hbm>>) target_semaphore(%dma_start3A_602 : memref<!tpu.dma_semaphore, #tpu.memory_space<semaphore_mem>>)
      %dma_wait3A_609 = arith.constant 0 : i32
      %dma_wait3A_610 = arith.constant 3 : i32
      %dma_wait3A_611 = arith.constant 3 : i32
      %dma_wait3A_612 = arith.constant 0 : i32
      %dma_wait3A_613 = arith.constant 0 : i32
      %dma_wait3A_614 = tpu.memref_slice %arg6[%dma_wait3A_610, %dma_wait3A_612, %dma_wait3A_613] : memref<5x128x128xf32, #tpu.memory_space<vmem>> -> memref<1x128x128xf32, #tpu.memory_space<vmem>>
      %dma_wait3A_615 = tpu.memref_squeeze %dma_wait3A_614 : memref<1x128x128xf32, #tpu.memory_space<vmem>> -> memref<128x128xf32, #tpu.memory_space<vmem>>
      %dma_wait3A_616 = arith.constant 0 : i32
      %dma_wait3A_617 = tpu.memref_slice %arg5[%dma_wait3A_609, %dma_wait3A_616] : memref<50x128xi32, #tpu.memory_space<vmem>> -> memref<1x128xi32, #tpu.memory_space<vmem>>
      %dma_wait3A_618 = tpu.memref_squeeze %dma_wait3A_617 : memref<1x128xi32, #tpu.memory_space<vmem>> -> memref<128xi32, #tpu.memory_space<vmem>>
      %dma_wait3A_619 = arith.constant 0 : i32
      %dma_wait3A_620 = arith.constant 0 : i32
      %dma_wait3A_621 = tpu.memref_slice %arg7[%dma_wait3A_619, %dma_wait3A_620] : memref<1024x128xf32, #tpu.memory_space<vmem_shared>> -> memref<1024x128xf32, #tpu.memory_space<vmem_shared>>
      %dma_wait3A_622 = tpu.memref_slice %arg8[%dma_wait3A_611] : memref<5x!tpu.dma_semaphore, #tpu.memory_space<semaphore_mem>> -> memref<1x!tpu.dma_semaphore, #tpu.memory_space<semaphore_mem>>
      %dma_wait3A_623 = tpu.memref_squeeze %dma_wait3A_622 : memref<1x!tpu.dma_semaphore, #tpu.memory_space<semaphore_mem>> -> memref<!tpu.dma_semaphore, #tpu.memory_space<semaphore_mem>>
      tpu.wait_indirect_dma semaphore(%dma_wait3A_623 : memref<!tpu.dma_semaphore, #tpu.memory_space<semaphore_mem>>) src(%dma_wait3A_621 : memref<1024x128xf32, #tpu.memory_space<vmem_shared>>) dst(%dma_wait3A_615 : memref<128x128xf32, #tpu.memory_space<vmem>>)
      %add3A_624 = arith.constant 3 : i32
      %add3A_625 = arith.addi %mul3A_340, %add3A_624 : i32
      %mul3A_626 = arith.constant 128 : i32
      %mul3A_627 = arith.muli %add3A_625, %mul3A_626 : i32
      %add3A_628 = arith.addi %mul3A_2, %mul3A_627 : i32
      %dma_start3A_629 = arith.constant 3 : i32
      %dma_start3A_630 = arith.constant 3 : i32
      %dma_start3A_631 = arith.constant 0 : i32
      %dma_start3A_632 = arith.constant 0 : i32
      %dma_start3A_633 = tpu.memref_slice %arg6[%dma_start3A_629, %dma_start3A_631, %dma_start3A_632] : memref<5x128x128xf32, #tpu.memory_space<vmem>> -> memref<1x128x128xf32, #tpu.memory_space<vmem>>
      %dma_start3A_634 = tpu.memref_squeeze %dma_start3A_633 : memref<1x128x128xf32, #tpu.memory_space<vmem>> -> memref<128x128xf32, #tpu.memory_space<vmem>>
      %dma_start3A_635 = arith.constant 0 : i32
      %dma_start3A_636 = tpu.memref_slice %arg4[%add3A_628, %dma_start3A_635] : memref<204800x128xf32, #tpu.memory_space<hbm>> -> memref<128x128xf32, #tpu.memory_space<hbm>>
      %dma_start3A_637 = tpu.memref_slice %arg9[%dma_start3A_630] : memref<5x!tpu.dma_semaphore, #tpu.memory_space<semaphore_mem>> -> memref<1x!tpu.dma_semaphore, #tpu.memory_space<semaphore_mem>>
      %dma_start3A_638 = tpu.memref_squeeze %dma_start3A_637 : memref<1x!tpu.dma_semaphore, #tpu.memory_space<semaphore_mem>> -> memref<!tpu.dma_semaphore, #tpu.memory_space<semaphore_mem>>
      %dma_start3A_639 = arith.constant 0 : i32
      %dma_start3A_640 = tpu.memref_slice %arg4[%add3A_628, %dma_start3A_639] : memref<204800x128xf32, #tpu.memory_space<hbm>> -> memref<128x128xf32, #tpu.memory_space<hbm>>
      %dma_start3A_641 = arith.constant 0 : i32
      %dma_start3A_642 = arith.constant 0 : i32
      %dma_start3A_643 = tpu.memref_slice %arg6[%dma_start3A_629, %dma_start3A_641, %dma_start3A_642] : memref<5x128x128xf32, #tpu.memory_space<vmem>> -> memref<1x128x128xf32, #tpu.memory_space<vmem>>
      %dma_start3A_644 = tpu.memref_squeeze %dma_start3A_643 : memref<1x128x128xf32, #tpu.memory_space<vmem>> -> memref<128x128xf32, #tpu.memory_space<vmem>>
      tpu.enqueue_dma source(%dma_start3A_644 : memref<128x128xf32, #tpu.memory_space<vmem>>) target(%dma_start3A_640 : memref<128x128xf32, #tpu.memory_space<hbm>>) target_semaphore(%dma_start3A_638 : memref<!tpu.dma_semaphore, #tpu.memory_space<semaphore_mem>>)
      %dma_wait3A_645 = arith.constant 0 : i32
      %dma_wait3A_646 = arith.constant 4 : i32
      %dma_wait3A_647 = arith.constant 4 : i32
      %dma_wait3A_648 = arith.constant 0 : i32
      %dma_wait3A_649 = arith.constant 0 : i32
      %dma_wait3A_650 = tpu.memref_slice %arg6[%dma_wait3A_646, %dma_wait3A_648, %dma_wait3A_649] : memref<5x128x128xf32, #tpu.memory_space<vmem>> -> memref<1x128x128xf32, #tpu.memory_space<vmem>>
      %dma_wait3A_651 = tpu.memref_squeeze %dma_wait3A_650 : memref<1x128x128xf32, #tpu.memory_space<vmem>> -> memref<128x128xf32, #tpu.memory_space<vmem>>
      %dma_wait3A_652 = arith.constant 0 : i32
      %dma_wait3A_653 = tpu.memref_slice %arg5[%dma_wait3A_645, %dma_wait3A_652] : memref<50x128xi32, #tpu.memory_space<vmem>> -> memref<1x128xi32, #tpu.memory_space<vmem>>
      %dma_wait3A_654 = tpu.memref_squeeze %dma_wait3A_653 : memref<1x128xi32, #tpu.memory_space<vmem>> -> memref<128xi32, #tpu.memory_space<vmem>>
      %dma_wait3A_655 = arith.constant 0 : i32
      %dma_wait3A_656 = arith.constant 0 : i32
      %dma_wait3A_657 = tpu.memref_slice %arg7[%dma_wait3A_655, %dma_wait3A_656] : memref<1024x128xf32, #tpu.memory_space<vmem_shared>> -> memref<1024x128xf32, #tpu.memory_space<vmem_shared>>
      %dma_wait3A_658 = tpu.memref_slice %arg8[%dma_wait3A_647] : memref<5x!tpu.dma_semaphore, #tpu.memory_space<semaphore_mem>> -> memref<1x!tpu.dma_semaphore, #tpu.memory_space<semaphore_mem>>
      %dma_wait3A_659 = tpu.memref_squeeze %dma_wait3A_658 : memref<1x!tpu.dma_semaphore, #tpu.memory_space<semaphore_mem>> -> memref<!tpu.dma_semaphore, #tpu.memory_space<semaphore_mem>>
      tpu.wait_indirect_dma semaphore(%dma_wait3A_659 : memref<!tpu.dma_semaphore, #tpu.memory_space<semaphore_mem>>) src(%dma_wait3A_657 : memref<1024x128xf32, #tpu.memory_space<vmem_shared>>) dst(%dma_wait3A_651 : memref<128x128xf32, #tpu.memory_space<vmem>>)
      %add3A_660 = arith.constant 4 : i32
      %add3A_661 = arith.addi %mul3A_340, %add3A_660 : i32
      %mul3A_662 = arith.constant 128 : i32
      %mul3A_663 = arith.muli %add3A_661, %mul3A_662 : i32
      %add3A_664 = arith.addi %mul3A_2, %mul3A_663 : i32
      %dma_start3A_665 = arith.constant 4 : i32
      %dma_start3A_666 = arith.constant 4 : i32
      %dma_start3A_667 = arith.constant 0 : i32
      %dma_start3A_668 = arith.constant 0 : i32
      %dma_start3A_669 = tpu.memref_slice %arg6[%dma_start3A_665, %dma_start3A_667, %dma_start3A_668] : memref<5x128x128xf32, #tpu.memory_space<vmem>> -> memref<1x128x128xf32, #tpu.memory_space<vmem>>
      %dma_start3A_670 = tpu.memref_squeeze %dma_start3A_669 : memref<1x128x128xf32, #tpu.memory_space<vmem>> -> memref<128x128xf32, #tpu.memory_space<vmem>>
      %dma_start3A_671 = arith.constant 0 : i32
      %dma_start3A_672 = tpu.memref_slice %arg4[%add3A_664, %dma_start3A_671] : memref<204800x128xf32, #tpu.memory_space<hbm>> -> memref<128x128xf32, #tpu.memory_space<hbm>>
      %dma_start3A_673 = tpu.memref_slice %arg9[%dma_start3A_666] : memref<5x!tpu.dma_semaphore, #tpu.memory_space<semaphore_mem>> -> memref<1x!tpu.dma_semaphore, #tpu.memory_space<semaphore_mem>>
      %dma_start3A_674 = tpu.memref_squeeze %dma_start3A_673 : memref<1x!tpu.dma_semaphore, #tpu.memory_space<semaphore_mem>> -> memref<!tpu.dma_semaphore, #tpu.memory_space<semaphore_mem>>
      %dma_start3A_675 = arith.constant 0 : i32
      %dma_start3A_676 = tpu.memref_slice %arg4[%add3A_664, %dma_start3A_675] : memref<204800x128xf32, #tpu.memory_space<hbm>> -> memref<128x128xf32, #tpu.memory_space<hbm>>
      %dma_start3A_677 = arith.constant 0 : i32
      %dma_start3A_678 = arith.constant 0 : i32
      %dma_start3A_679 = tpu.memref_slice %arg6[%dma_start3A_665, %dma_start3A_677, %dma_start3A_678] : memref<5x128x128xf32, #tpu.memory_space<vmem>> -> memref<1x128x128xf32, #tpu.memory_space<vmem>>
      %dma_start3A_680 = tpu.memref_squeeze %dma_start3A_679 : memref<1x128x128xf32, #tpu.memory_space<vmem>> -> memref<128x128xf32, #tpu.memory_space<vmem>>
      tpu.enqueue_dma source(%dma_start3A_680 : memref<128x128xf32, #tpu.memory_space<vmem>>) target(%dma_start3A_676 : memref<128x128xf32, #tpu.memory_space<hbm>>) target_semaphore(%dma_start3A_674 : memref<!tpu.dma_semaphore, #tpu.memory_space<semaphore_mem>>)
    }
    %scan3A_257 = arith.constant 9 : i32
    %dma_wait3A_258 = arith.constant 0 : i32
    %dma_wait3A_259 = arith.constant 0 : i32
    %dma_wait3A_260 = arith.constant 0 : i32
    %dma_wait3A_261 = arith.constant 0 : i32
    %dma_wait3A_262 = tpu.memref_slice %arg6[%dma_wait3A_258, %dma_wait3A_260, %dma_wait3A_261] : memref<5x128x128xf32, #tpu.memory_space<vmem>> -> memref<1x128x128xf32, #tpu.memory_space<vmem>>
    %dma_wait3A_263 = tpu.memref_squeeze %dma_wait3A_262 : memref<1x128x128xf32, #tpu.memory_space<vmem>> -> memref<128x128xf32, #tpu.memory_space<vmem>>
    %dma_wait3A_264 = arith.constant 0 : i32
    %dma_wait3A_265 = tpu.memref_slice %arg4[%mul3A_2, %dma_wait3A_264] : memref<204800x128xf32, #tpu.memory_space<hbm>> -> memref<128x128xf32, #tpu.memory_space<hbm>>
    %dma_wait3A_266 = tpu.memref_slice %arg9[%dma_wait3A_259] : memref<5x!tpu.dma_semaphore, #tpu.memory_space<semaphore_mem>> -> memref<1x!tpu.dma_semaphore, #tpu.memory_space<semaphore_mem>>
    %dma_wait3A_267 = tpu.memref_squeeze %dma_wait3A_266 : memref<1x!tpu.dma_semaphore, #tpu.memory_space<semaphore_mem>> -> memref<!tpu.dma_semaphore, #tpu.memory_space<semaphore_mem>>
    %dma_wait3A_268 = arith.constant 0 : i32
    %dma_wait3A_269 = tpu.memref_slice %arg4[%mul3A_2, %dma_wait3A_268] : memref<204800x128xf32, #tpu.memory_space<hbm>> -> memref<128x128xf32, #tpu.memory_space<hbm>>
    %dma_wait3A_270 = arith.constant 0 : i32
    %dma_wait3A_271 = arith.constant 0 : i32
    %dma_wait3A_272 = tpu.memref_slice %arg6[%dma_wait3A_258, %dma_wait3A_270, %dma_wait3A_271] : memref<5x128x128xf32, #tpu.memory_space<vmem>> -> memref<1x128x128xf32, #tpu.memory_space<vmem>>
    %dma_wait3A_273 = tpu.memref_squeeze %dma_wait3A_272 : memref<1x128x128xf32, #tpu.memory_space<vmem>> -> memref<128x128xf32, #tpu.memory_space<vmem>>
    tpu.wait_dma2 semaphore(%dma_wait3A_267 : memref<!tpu.dma_semaphore, #tpu.memory_space<semaphore_mem>>) src(%dma_wait3A_273 : memref<128x128xf32, #tpu.memory_space<vmem>>) dst(%dma_wait3A_269 : memref<128x128xf32, #tpu.memory_space<hbm>>)
    %dma_wait3A_274 = arith.constant 1 : i32
    %dma_wait3A_275 = arith.constant 1 : i32
    %dma_wait3A_276 = arith.constant 0 : i32
    %dma_wait3A_277 = arith.constant 0 : i32
    %dma_wait3A_278 = tpu.memref_slice %arg6[%dma_wait3A_274, %dma_wait3A_276, %dma_wait3A_277] : memref<5x128x128xf32, #tpu.memory_space<vmem>> -> memref<1x128x128xf32, #tpu.memory_space<vmem>>
    %dma_wait3A_279 = tpu.memref_squeeze %dma_wait3A_278 : memref<1x128x128xf32, #tpu.memory_space<vmem>> -> memref<128x128xf32, #tpu.memory_space<vmem>>
    %dma_wait3A_280 = arith.constant 0 : i32
    %dma_wait3A_281 = tpu.memref_slice %arg4[%mul3A_2, %dma_wait3A_280] : memref<204800x128xf32, #tpu.memory_space<hbm>> -> memref<128x128xf32, #tpu.memory_space<hbm>>
    %dma_wait3A_282 = tpu.memref_slice %arg9[%dma_wait3A_275] : memref<5x!tpu.dma_semaphore, #tpu.memory_space<semaphore_mem>> -> memref<1x!tpu.dma_semaphore, #tpu.memory_space<semaphore_mem>>
    %dma_wait3A_283 = tpu.memref_squeeze %dma_wait3A_282 : memref<1x!tpu.dma_semaphore, #tpu.memory_space<semaphore_mem>> -> memref<!tpu.dma_semaphore, #tpu.memory_space<semaphore_mem>>
    %dma_wait3A_284 = arith.constant 0 : i32
    %dma_wait3A_285 = tpu.memref_slice %arg4[%mul3A_2, %dma_wait3A_284] : memref<204800x128xf32, #tpu.memory_space<hbm>> -> memref<128x128xf32, #tpu.memory_space<hbm>>
    %dma_wait3A_286 = arith.constant 0 : i32
    %dma_wait3A_287 = arith.constant 0 : i32
    %dma_wait3A_288 = tpu.memref_slice %arg6[%dma_wait3A_274, %dma_wait3A_286, %dma_wait3A_287] : memref<5x128x128xf32, #tpu.memory_space<vmem>> -> memref<1x128x128xf32, #tpu.memory_space<vmem>>
    %dma_wait3A_289 = tpu.memref_squeeze %dma_wait3A_288 : memref<1x128x128xf32, #tpu.memory_space<vmem>> -> memref<128x128xf32, #tpu.memory_space<vmem>>
    tpu.wait_dma2 semaphore(%dma_wait3A_283 : memref<!tpu.dma_semaphore, #tpu.memory_space<semaphore_mem>>) src(%dma_wait3A_289 : memref<128x128xf32, #tpu.memory_space<vmem>>) dst(%dma_wait3A_285 : memref<128x128xf32, #tpu.memory_space<hbm>>)
    %dma_wait3A_290 = arith.constant 2 : i32
    %dma_wait3A_291 = arith.constant 2 : i32
    %dma_wait3A_292 = arith.constant 0 : i32
    %dma_wait3A_293 = arith.constant 0 : i32
    %dma_wait3A_294 = tpu.memref_slice %arg6[%dma_wait3A_290, %dma_wait3A_292, %dma_wait3A_293] : memref<5x128x128xf32, #tpu.memory_space<vmem>> -> memref<1x128x128xf32, #tpu.memory_space<vmem>>
    %dma_wait3A_295 = tpu.memref_squeeze %dma_wait3A_294 : memref<1x128x128xf32, #tpu.memory_space<vmem>> -> memref<128x128xf32, #tpu.memory_space<vmem>>
    %dma_wait3A_296 = arith.constant 0 : i32
    %dma_wait3A_297 = tpu.memref_slice %arg4[%mul3A_2, %dma_wait3A_296] : memref<204800x128xf32, #tpu.memory_space<hbm>> -> memref<128x128xf32, #tpu.memory_space<hbm>>
    %dma_wait3A_298 = tpu.memref_slice %arg9[%dma_wait3A_291] : memref<5x!tpu.dma_semaphore, #tpu.memory_space<semaphore_mem>> -> memref<1x!tpu.dma_semaphore, #tpu.memory_space<semaphore_mem>>
    %dma_wait3A_299 = tpu.memref_squeeze %dma_wait3A_298 : memref<1x!tpu.dma_semaphore, #tpu.memory_space<semaphore_mem>> -> memref<!tpu.dma_semaphore, #tpu.memory_space<semaphore_mem>>
    %dma_wait3A_300 = arith.constant 0 : i32
    %dma_wait3A_301 = tpu.memref_slice %arg4[%mul3A_2, %dma_wait3A_300] : memref<204800x128xf32, #tpu.memory_space<hbm>> -> memref<128x128xf32, #tpu.memory_space<hbm>>
    %dma_wait3A_302 = arith.constant 0 : i32
    %dma_wait3A_303 = arith.constant 0 : i32
    %dma_wait3A_304 = tpu.memref_slice %arg6[%dma_wait3A_290, %dma_wait3A_302, %dma_wait3A_303] : memref<5x128x128xf32, #tpu.memory_space<vmem>> -> memref<1x128x128xf32, #tpu.memory_space<vmem>>
    %dma_wait3A_305 = tpu.memref_squeeze %dma_wait3A_304 : memref<1x128x128xf32, #tpu.memory_space<vmem>> -> memref<128x128xf32, #tpu.memory_space<vmem>>
    tpu.wait_dma2 semaphore(%dma_wait3A_299 : memref<!tpu.dma_semaphore, #tpu.memory_space<semaphore_mem>>) src(%dma_wait3A_305 : memref<128x128xf32, #tpu.memory_space<vmem>>) dst(%dma_wait3A_301 : memref<128x128xf32, #tpu.memory_space<hbm>>)
    %dma_wait3A_306 = arith.constant 3 : i32
    %dma_wait3A_307 = arith.constant 3 : i32
    %dma_wait3A_308 = arith.constant 0 : i32
    %dma_wait3A_309 = arith.constant 0 : i32
    %dma_wait3A_310 = tpu.memref_slice %arg6[%dma_wait3A_306, %dma_wait3A_308, %dma_wait3A_309] : memref<5x128x128xf32, #tpu.memory_space<vmem>> -> memref<1x128x128xf32, #tpu.memory_space<vmem>>
    %dma_wait3A_311 = tpu.memref_squeeze %dma_wait3A_310 : memref<1x128x128xf32, #tpu.memory_space<vmem>> -> memref<128x128xf32, #tpu.memory_space<vmem>>
    %dma_wait3A_312 = arith.constant 0 : i32
    %dma_wait3A_313 = tpu.memref_slice %arg4[%mul3A_2, %dma_wait3A_312] : memref<204800x128xf32, #tpu.memory_space<hbm>> -> memref<128x128xf32, #tpu.memory_space<hbm>>
    %dma_wait3A_314 = tpu.memref_slice %arg9[%dma_wait3A_307] : memref<5x!tpu.dma_semaphore, #tpu.memory_space<semaphore_mem>> -> memref<1x!tpu.dma_semaphore, #tpu.memory_space<semaphore_mem>>
    %dma_wait3A_315 = tpu.memref_squeeze %dma_wait3A_314 : memref<1x!tpu.dma_semaphore, #tpu.memory_space<semaphore_mem>> -> memref<!tpu.dma_semaphore, #tpu.memory_space<semaphore_mem>>
    %dma_wait3A_316 = arith.constant 0 : i32
    %dma_wait3A_317 = tpu.memref_slice %arg4[%mul3A_2, %dma_wait3A_316] : memref<204800x128xf32, #tpu.memory_space<hbm>> -> memref<128x128xf32, #tpu.memory_space<hbm>>
    %dma_wait3A_318 = arith.constant 0 : i32
    %dma_wait3A_319 = arith.constant 0 : i32
    %dma_wait3A_320 = tpu.memref_slice %arg6[%dma_wait3A_306, %dma_wait3A_318, %dma_wait3A_319] : memref<5x128x128xf32, #tpu.memory_space<vmem>> -> memref<1x128x128xf32, #tpu.memory_space<vmem>>
    %dma_wait3A_321 = tpu.memref_squeeze %dma_wait3A_320 : memref<1x128x128xf32, #tpu.memory_space<vmem>> -> memref<128x128xf32, #tpu.memory_space<vmem>>
    tpu.wait_dma2 semaphore(%dma_wait3A_315 : memref<!tpu.dma_semaphore, #tpu.memory_space<semaphore_mem>>) src(%dma_wait3A_321 : memref<128x128xf32, #tpu.memory_space<vmem>>) dst(%dma_wait3A_317 : memref<128x128xf32, #tpu.memory_space<hbm>>)
    %dma_wait3A_322 = arith.constant 4 : i32
    %dma_wait3A_323 = arith.constant 4 : i32
    %dma_wait3A_324 = arith.constant 0 : i32
    %dma_wait3A_325 = arith.constant 0 : i32
    %dma_wait3A_326 = tpu.memref_slice %arg6[%dma_wait3A_322, %dma_wait3A_324, %dma_wait3A_325] : memref<5x128x128xf32, #tpu.memory_space<vmem>> -> memref<1x128x128xf32, #tpu.memory_space<vmem>>
    %dma_wait3A_327 = tpu.memref_squeeze %dma_wait3A_326 : memref<1x128x128xf32, #tpu.memory_space<vmem>> -> memref<128x128xf32, #tpu.memory_space<vmem>>
    %dma_wait3A_328 = arith.constant 0 : i32
    %dma_wait3A_329 = tpu.memref_slice %arg4[%mul3A_2, %dma_wait3A_328] : memref<204800x128xf32, #tpu.memory_space<hbm>> -> memref<128x128xf32, #tpu.memory_space<hbm>>
    %dma_wait3A_330 = tpu.memref_slice %arg9[%dma_wait3A_323] : memref<5x!tpu.dma_semaphore, #tpu.memory_space<semaphore_mem>> -> memref<1x!tpu.dma_semaphore, #tpu.memory_space<semaphore_mem>>
    %dma_wait3A_331 = tpu.memref_squeeze %dma_wait3A_330 : memref<1x!tpu.dma_semaphore, #tpu.memory_space<semaphore_mem>> -> memref<!tpu.dma_semaphore, #tpu.memory_space<semaphore_mem>>
    %dma_wait3A_332 = arith.constant 0 : i32
    %dma_wait3A_333 = tpu.memref_slice %arg4[%mul3A_2, %dma_wait3A_332] : memref<204800x128xf32, #tpu.memory_space<hbm>> -> memref<128x128xf32, #tpu.memory_space<hbm>>
    %dma_wait3A_334 = arith.constant 0 : i32
    %dma_wait3A_335 = arith.constant 0 : i32
    %dma_wait3A_336 = tpu.memref_slice %arg6[%dma_wait3A_322, %dma_wait3A_334, %dma_wait3A_335] : memref<5x128x128xf32, #tpu.memory_space<vmem>> -> memref<1x128x128xf32, #tpu.memory_space<vmem>>
    %dma_wait3A_337 = tpu.memref_squeeze %dma_wait3A_336 : memref<1x128x128xf32, #tpu.memory_space<vmem>> -> memref<128x128xf32, #tpu.memory_space<vmem>>
    tpu.wait_dma2 semaphore(%dma_wait3A_331 : memref<!tpu.dma_semaphore, #tpu.memory_space<semaphore_mem>>) src(%dma_wait3A_337 : memref<128x128xf32, #tpu.memory_space<vmem>>) dst(%dma_wait3A_333 : memref<128x128xf32, #tpu.memory_space<hbm>>)
    return
  }
}

module attributes {stable_mosaic.version = 14 : i64} {
  func.func @_mlp_body(%arg0: memref<1000x64xf32, #tpu.memory_space<vmem>>, %arg1: memref<64x256xf32, #tpu.memory_space<vmem>>, %arg2: memref<256x128xf32, #tpu.memory_space<vmem>>, %arg3: memref<1024x128xf32, #tpu.memory_space<vmem>>) attributes {dimension_semantics = [], scalar_prefetch = 0 : i64, scratch_operands = 0 : i64, tpu.core_type = #tpu.core_type<tc>} {
    %get3A = arith.constant 0 : index
    %get3A_0 = arith.constant 0 : index
    %get3A_1 = vector.load %arg0[%get3A, %get3A_0] : memref<1000x64xf32, #tpu.memory_space<vmem>>, vector<1000x64xf32>
    %get3A_2 = arith.constant 0 : index
    %get3A_3 = arith.constant 0 : index
    %get3A_4 = vector.load %arg1[%get3A_2, %get3A_3] : memref<64x256xf32, #tpu.memory_space<vmem>>, vector<64x256xf32>
    %dot_general3A = arith.constant dense<0.000000e+00> : vector<1000x256xf32>
    %dot_general3A_5 = tpu.matmul %get3A_1, %get3A_4, %dot_general3A {dimension_numbers = #tpu.dot_dimension_numbers<[1], [0], [0], [1], [0, 0, 1, 1], [], []>, transpose_lhs_hint = false} : vector<1000x64xf32>, vector<64x256xf32>, vector<1000x256xf32> -> vector<1000x256xf32>
    %max3A = arith.constant 0.000000e+00 : f32
    %max3A_6 = vector.broadcast %max3A : f32 to vector<1000x256xf32>
    %max3A_7 = arith.maximumf %dot_general3A_5, %max3A_6 : vector<1000x256xf32>
    %get3A_8 = arith.constant 0 : index
    %get3A_9 = arith.constant 0 : index
    %get3A_10 = vector.load %arg2[%get3A_8, %get3A_9] : memref<256x128xf32, #tpu.memory_space<vmem>>, vector<256x128xf32>
    %dot_general3A_11 = arith.constant dense<0.000000e+00> : vector<1000x128xf32>
    %dot_general3A_12 = tpu.matmul %max3A_7, %get3A_10, %dot_general3A_11 {dimension_numbers = #tpu.dot_dimension_numbers<[1], [0], [0], [1], [0, 0, 1, 1], [], []>, transpose_lhs_hint = false} : vector<1000x256xf32>, vector<256x128xf32>, vector<1000x128xf32> -> vector<1000x128xf32>
    %swap3A = arith.constant 0 : index
    %swap3A_13 = arith.constant 0 : index
    %swap3A_14 = vector.load %arg3[%swap3A, %swap3A_13] : memref<1024x128xf32, #tpu.memory_space<vmem>>, vector<1000x128xf32>
    tpu.vector_store %arg3[%swap3A, %swap3A_13], %dot_general3A_12 {strides = array<i32>} : memref<1024x128xf32, #tpu.memory_space<vmem>>, vector<1000x128xf32>,
    return
  }
}

</mosaic_0001>

<sc_bundles>
// kernel: kernel.4.cloned.1.call-start
scs
__scs_entry_jumppad:
0x0: {  	(pc) =	sbr.rel $0x88, $3  }
0x1: {  	(tag) =	ssettag $0x0;
	lr =	simm.s32 $0x1  }
0x2: {  	[smem:$0x3F9D] =	sst lr;
	_ =	strace $0xD0000000  }
0x3: {  	_ = 	snop  }
0x4: {  	_ = 	snop  }
0x5: {  	_ = 	snop  }
0x6: {  	_ = 	snop  }
0x7: {  	_ = 	snop  }
__scs_overlays_trampoline_lowered:
0x8: {  	[smem:$0x3FAC] =	sst s0  }
0x9: {  	[smem:$0x3FAD] =	sst s1  }
0xa: {  	[smem:$0x3FAE] =	sst s2  }
0xb: {  	[smem:$0x3FAF] =	sst s3  }
0xc: {  	[smem:$0x3FB0] =	sst s4  }
0xd: {  	[smem:$0x3FB1] =	sst s5  }
0xe: {  	[smem:$0x3FB2] =	sst s6  }
0xf: {  	[smem:$0x3FB3] =	sst s7  }
0x10: {  	[smem:$0x3FB4] =	sst s8  }
0x11: {  	[smem:$0x3FB5] =	sst s9;
	s0 =	simm.s32 @!p0 $0x0  }
0x12: {  	s1 =	sld [smem:$0x3F9B];
	s0 =	simm.s32 @p0 $0x1  }
0x13: {  	[smem:$0x3FB6] =	sst s0;
	s0 =	simm.s32 @!p1 $0x0  }
0x14: {  	s2 =	sld [smem:$0x3F9A];
	s0 =	simm.s32 @p1 $0x1  }
0x15: {  	[smem:$0x3FB7] =	sst s0;
	s0 =	simm.s32 @!p2 $0x0  }
0x16: {  	s3 =	sld [smem:$0x3FDB];
	s0 =	simm.s32 @p2 $0x1  }
0x17: {  	s4 =	simm.s32 $0x1BF5;
	[smem:$0x3FB9] =	sst s0  }
0x18: {  	s0 =	sld [smem:$0x3F9C];
	_ =	swait.ge [sflag:s4], $0x0  }
0x19: {  	s7 =	sld [smem:$0x3F9D]  }
0x1a: {  	s8 =	sadd.s32 $0xFFFFE003, lr  }
0x1b: {  	s9 =	sadd.s32 $0xFFFFFEF7, lr;
	s5 =	simm.s32 $0xFFFFFFFF;
	p2 =	slt.u32 s8, $0xFFFFF086  }
0x1c: {  	p1 =	slt.u32 s9, $0xF7A;
	s5 =	simm.s32 @!p2 $0x0  }
0x1d: {  	s5 =	simm.s32 @p1 $0x1;
	p0 =	seq.s32 s7, s2  }
0x1e: {  	s7 =	smul.u32 @!p0 $0xF7A, s2;
	p2 =	seq.s32 @!p0 s5, $0x0  }
0x1f: {  	s9 =	smul.u32 $0xF7A, s1;
	s8 =	simm.s32 @!p0 $0x1BF5;
	p2 =	por !p2, p0  }
0x20: {  	[sflag:s8] =	ssyncset.s32 @!p0 $0xFFFFF086;
	s6 =	sadd.s32 @!p0 s3, s7;
	s7 =	simm.s32 @!p0 $0x108  }
0x21: {  	s3 =	sadd.s32 s3, s9;
	s6 =	sadd.s32 @!p0 $0x88, s6;
	s7 =	simm.s32 @p2 $0x1082  }
0x22: {  	[simem:s7], [sflag:s8] =	dma.local @!p0 [hbm:s6], $0xF7A  }
0x23: {  	s9 =	sor.u32 $0xD0000000, s2;
	s6 =	simm.s32 $0x108;
	_ =	swait.ge @!p0 [sflag:s8], $0x0  }
0x24: {  	s3 =	sadd.s32 $0x88, s3;
	s6 =	simm.s32 @!p1 $0x1082;
	[sflag:s4] =	ssyncset.s32 $0xFFFFF086  }
0x25: {  	[simem:s6], [sflag:s4] =	dma.local [hbm:s3], $0xF7A  }
0x26: {  	[smem:$0x3F9D] =	sst s1;
	(tag) =	ssettag s2;
	_ =	strace s9  }
0x27: {  	s1 =	sld [smem:$0x3FAD]  }
0x28: {  	s2 =	sld [smem:$0x3FAE]  }
0x29: {  	s4 =	sld [smem:$0x3FB0]  }
0x2a: {  	p0 =	seq.s32 s5, $0x0;
	s5 =	sld [smem:$0x3FB1]  }
0x2b: {  	s6 =	sld [smem:$0x3FB2]  }
0x2c: {  	s7 =	sld [smem:$0x3FB3]  }
0x2d: {  	s3 =	simm.s32 $0x108;
	s8 =	sld [smem:$0x3FB4]  }
0x2e: {  	s3 =	simm.s32 @!p0 $0x1082;
	s9 =	sld [smem:$0x3FB5]  }
0x2f: {  	lr =	sadd.s32 s0, s3;
	s0 =	sld [smem:$0x3FAC]  }
0x30: {  	s3 =	sld [smem:$0x3FAF]  }
0x31: {  	[smem:$0x3FB8] =	sst s10  }
0x32: {  	s10 =	sld [smem:$0x3FB6];
	_ =	sdelay $0x3  }
0x33: {  	p0 =	seq.s32 s10, $0x1;
	s10 =	sld [smem:$0x3FB8];
	_ =	sdelay $0x3  }
0x34: {  	[smem:$0x3FB8] =	sst s10  }
0x35: {  	s10 =	sld [smem:$0x3FB7];
	_ =	sdelay $0x3  }
0x36: {  	p1 =	seq.s32 s10, $0x1;
	s10 =	sld [smem:$0x3FB8];
	_ =	sdelay $0x3  }
0x37: {  	[smem:$0x3FB8] =	sst s10  }
0x38: {  	s10 =	sld [smem:$0x3FB9]  }
0x39: {  	_ = 	snop;
	(pc) =	sbr.ind lr, $3  }
0x3a: {  	_ = 	snop  }
0x3b: {  	_ = 	snop  }
0x3c: {  	p2 =	seq.s32 s10, $0x1;
	s10 =	sld [smem:$0x3FB8]  }
0x3d: {  	_ =	shalt  }
0x3e: {  	_ =	shalt  }
0x3f: {  	_ =	shalt  }
0x40: {  	_ =	shalt  }
0x41: {  	_ =	shalt  }
0x42: {  	_ =	shalt  }
0x43: {  	_ =	shalt  }
0x44: {  	_ =	shalt  }
0x45: {  	_ =	shalt  }
0x46: {  	_ =	shalt  }
0x47: {  	_ =	shalt  }
0x48: {  	_ =	shalt  }
0x49: {  	_ =	shalt  }
0x4a: {  	_ =	shalt  }
0x4b: {  	_ =	shalt  }
0x4c: {  	_ =	shalt  }
0x4d: {  	_ =	shalt  }
0x4e: {  	_ =	shalt  }
0x4f: {  	_ =	shalt  }
0x50: {  	_ =	shalt  }
0x51: {  	_ =	shalt  }
0x52: {  	_ =	shalt  }
0x53: {  	_ =	shalt  }
0x54: {  	_ =	shalt  }
0x55: {  	_ =	shalt  }
0x56: {  	_ =	shalt  }
0x57: {  	_ =	shalt  }
0x58: {  	_ =	shalt  }
0x59: {  	_ =	shalt  }
0x5a: {  	_ =	shalt  }
0x5b: {  	_ =	shalt  }
0x5c: {  	_ =	shalt  }
0x5d: {  	_ =	shalt  }
0x5e: {  	_ =	shalt  }
0x5f: {  	_ =	shalt  }
0x60: {  	_ =	shalt  }
0x61: {  	_ =	shalt  }
0x62: {  	_ =	shalt  }
0x63: {  	_ =	shalt  }
0x64: {  	_ =	shalt  }
0x65: {  	_ =	shalt  }
0x66: {  	_ =	shalt  }
0x67: {  	_ =	shalt  }
0x68: {  	_ =	shalt  }
0x69: {  	_ =	shalt  }
0x6a: {  	_ =	shalt  }
0x6b: {  	_ =	shalt  }
0x6c: {  	_ =	shalt  }
0x6d: {  	_ =	shalt  }
0x6e: {  	_ =	shalt  }
0x6f: {  	_ =	shalt  }
0x70: {  	_ =	shalt  }
0x71: {  	_ =	shalt  }
0x72: {  	_ =	shalt  }
0x73: {  	_ =	shalt  }
0x74: {  	_ =	shalt  }
0x75: {  	_ =	shalt  }
0x76: {  	_ =	shalt  }
0x77: {  	_ =	shalt  }
0x78: {  	_ =	shalt  }
0x79: {  	_ =	shalt  }
0x7a: {  	_ =	shalt  }
0x7b: {  	_ =	shalt  }
0x7c: {  	_ =	shalt  }
0x7d: {  	_ =	shalt  }
0x7e: {  	_ =	shalt  }
0x7f: {  	_ =	shalt  }
0x80: {  	_ =	shalt  }
0x81: {  	_ =	shalt  }
0x82: {  	_ =	shalt  }
0x83: {  	_ =	shalt  }
0x84: {  	_ =	shalt  }
0x85: {  	_ =	shalt  }
0x86: {  	_ =	shalt  }
0x87: {  	_ =	shalt  }
.Lfunc_end0:
.L_simem_size_0:
called_computation_lowered:
.L_overlay_start_0:
0x88: {  	s2 =	sld [smem:$0x3FD9]  }
0x89: {  	s3 =	sld [smem:$0x3FFE];
	_ =	sdelay $0x1  }
0x8a: {  	s1 =	srdreg.scid  }
0x8b: {  	s0 =	sand.u32 $0x1, s1  }
0x8c: {  	s17 =	sshll.u32 s0, $0xA;
	s2 =	sadd.s32 s3, s2  }
0x8d: {  	s2 =	sadd.s32 s2, s17  }
0x8e: {  	[smem:$0x3FC4] =	sst s2  }
0x8f: {  	_ = 	snop  }
0x90: {  	s2 =	sld [smem:$0x3FD0];
	(tm) =	ssettm $0x1  }
0x91: {  	s18 =	sld [smem:$0x3FFB];
	_ =	sdelay $0x3  }
0x92: {  	_ =	strace s18  }
0x93: {  	s3 =	sld [smem:$0x3FFC];
	_ =	sdelay $0x3  }
0x94: {  	_ =	strace s3  }
0x95: {  	s3 =	sld [smem:$0x3FFD];
	_ =	sdelay $0x3  }
0x96: {  	_ =	strace s3  }
0x97: {  	_ =	strace $0x8FFFFFFF  }
0x98: {  	s19 =	sld [smem:$0x3FDB];
	_ =	sdelay $0x1  }
0x99: {  	s4 =	simm.s32 $_scs_section_size  }
0x9a: {  	s5 =	simm.s32 $_size__tile_overlayer_lowered;
	s6 =	simm.s32 $_tile_overlayer_lowered  }
0x9b: {  	s22 =	simm.s32 $0x1BFF;
	s21 =	sshll.u32 s6, $0x1;
	s3 =	sadd.s32 s4, s19  }
0x9c: {  	s7 =	simm.s32 $0x0;
	s20 =	sshll.u32 s5, $0x1;
	s5 =	sadd.s32 s21, s3  }
0x9d: {  	[timem:s7], [sflag:s22] =	dma.local [hbm:s5], s20  }
0x9e: {  	_ =	swait.ge [sflag:s22], s20  }
0x9f: {  	s4 =	ssub.s32 $0x0, s20;
	[sflag:s22] =	ssyncset.done $0x0  }
0xa0: {  	[sflag:s22] =	ssyncadd.s32 s4;
	_ =	sdelay $0x1  }
0xa1: {  	s23 =	simm.s32 $0x1B8B  }
0xa2: {  	_ =	swait.ge [sflag:s23], $0x1  }
0xa3: {  	[sflag:s23] =	ssyncset.done $0x0  }
0xa4: {  	s25 =	simm.s32 $0x1B8E;
	s24 =	sld [smem:$0x3FFE];
	[sflag:s23] =	ssyncadd.s32 $0xFFFFFFFF  }
0xa5: {  	s26 =	simm.s32 $execute0_lowered;
	[smem:$0x3FD2] =	sst s25  }
0xa6: {  	s5 =	sshll.u32 s26, $0x1;
	_ =	strace $0x80000046;
	[dreg:$0x1] =	wrdreg $0xFFFFFFFF  }
0xa7: {  	s28 =	simm.s32 $_size_execute0_lowered;
	s3 =	sadd.s32 s3, s5;
	[dreg:$0x0] =	wrdreg $0x0  }
0xa8: {  	s5 =	sshll.u32 s28, $0x1;
	[dreg:$0x2] =	wrdreg s3  }
0xa9: {  	[dreg:$0x3] =	wrdreg s5  }
0xaa: {  	[dreg:$0x4] =	wrdreg $0xC0  }
0xab: {  	_ =	task [dreg:s7], $0x5FFFF  }
0xac: {  	[dreg:$0x1] =	wrdreg $0xFFFFFFFF  }
0xad: {  	[dreg:$0x0] =	wrdreg $0x60  }
0xae: {  	[dreg:$0x2] =	wrdreg s24  }
0xaf: {  	[dreg:$0x3] =	wrdreg s2  }
0xb0: {  	[dreg:$0x4] =	wrdreg $0x15C000  }
0xb1: {  	[dreg:$0x5] =	wrdreg $0x9  }
0xb2: {  	_ =	task.clear_ibuf [dreg:s7], $0x6FFFF;
	_ =	strace $0x90000046  }
0xb3: {  	s29 =	simm.s32 $0x9;
	_ =	strace $0x80000048  }
0xb4: {  	_ =	swait.ge [sflag:s29], $0x1  }
0xb5: {  	[sflag:s29] =	ssyncadd.s32 $0xFFFFFFFF  }
0xb6: {  	_ =	strace $0x90000048  }
0xb7: {  	_ =	sfence  }
0xb8: {  	s30 =	sld [smem:$0x0];
	_ =	sdelay $0x2  }
0xb9: {  	s31 =	sshll.u32 s1, $0xD;
	s1 =	sshrl.u32 s1, $0x2  }
0xba: {  	s3 =	sand.u32 $0x4000, s31;
	s1 =	sadd.s32 s1, s30  }
0xbb: {  	s0 =	sor.u32 s3, s0;
	s1 =	sshll.u32 s1, $0x11  }
0xbc: {  	s0 =	sor.u32 s1, s0  }
0xbd: {  	s0 =	sadd.s32 $0x8F2B, s0  }
0xbe: {  	[sflag:s0] =	ssyncadd.remote.s32 $0x1  }
0xbf: {  	_ =	sfence.sel $0xFFFF  }
0xc0: {  	[dreg:$0x0] =	wrdreg $0xFFFFFFFF;
	(pc) =	sbr.abs _section_cstart, $3  }
0xc1: {  	[dreg:$0x1] =	wrdreg $0xFFFFFFFF  }
0xc2: {  	_ =	task.clear_ibuf [dreg:s7], $0x2FFFF;
	_ =	strace $0x9FFFFFFF  }
0xc3: {  	(tm) =	ssettm $0x7FFFFFFF  }
tec
execute0_lowered:
.L_overlay_start_1:
0x0: {  	(tag) =	ssettag $0x1  }
0x1: {  	s0 =	rddreg [dreg:$0x0]  }
0x2: {  	s1 =	rddreg [dreg:$0x1];
	s10 =	stileid.u32  }
0x3: {  	s3 =	srdreg.scid;
	s2 =	rddreg [dreg:$0x2];
	s14 =	simm.s32 $0xC  }
0x4: {  	s15 =	simm.s32 $0xB;
	s16 =	simm.s32 $0x80;
	s17 =	simm.s32 $0x1C00  }
0x5: {  	s18 =	simm.s32 $0x5C00;
	s28 =	simm.s32 $0x3;
	s29 =	simm.s32 $0x4  }
0x6: {  	s30 =	simm.s32 $0x5;
	s31 =	simm.s32 $0x6;
	s4 =	sand.u32 $0x1, s3  }
0x7: {  	s5 =	sshll.u32 s10, $0x1;
	s3 =	simm.s32 $0x0;
	s7 =	sshll.u32 s10, $0xA  }
0x8: {  	s20 =	sshll.u32 s10, $0xD;
	s21 =	sshll.u32 s10, $0x6;
	s24 =	smul.u32 $0x32000, s10  }
0x9: {  	s5 =	sor.u32 s4, s5;
	[smem:$0x7FF] =	sst s3;
	s8 =	ssub.s32 $0x2, s4  }
0xa: {  	s7 =	sadd.s32 s7, s0;
	s13 =	sadd.s32 s20, s2;
	s4 =	smul.u32 $0x19000, s4  }
0xb: {  	s22 =	sor.u32 $0x1C0B, s21;
	s20 =	simm.s32 $0x9C00;
	s6 =	smul.u32 $0x380, s5  }
0xc: {  	s21 =	simm.s32 $0xA;
	_ =	strace $0x80000047;
	s9 =	smul.u32 $0x19000, s5  }
0xd: {  	s19 =	sshrl.u32 s8, $0x1;
	s5 =	smul.u32 $0xC8000, s5;
	s7 =	sadd.s32 $0x7A00, s7  }
0xe: {  	[dreg:$0x6] =	wrdreg s22;
	s13 =	sshrl.u32 s13, $0x3;
	s22 =	simm.s32 $0xDC00  }
0xf: {  	[dreg:$0x5] =	wrdreg s7;
	s0 =	sadd.s32 s6, s0;
	s6 =	ssub.s32 s8, s19  }
0x10: {  	s7 =	sadd.s32 s1, s9;
	s23 =	sshrl.u32 s5, $0x3;
	s0 =	sadd.s32 $0xA00, s0  }
0x11: {  	s19 =	simm.s32 $0x9;
	s25 =	sadd.s32 $0x800, s7;
	[dreg:$0x7] =	wrdreg s0  }
0x12: {  	s12 =	smax.u32 s6, $0x1;
	[dreg:$0x8] =	wrdreg s25;
	s0 =	sadd.s32 s1, s23  }
0x13: {  	s1 =	sadd.s32 s24, s1;
	s24 =	simm.s32 $0x11C00;
	s25 =	simm.s32 $0x1  }
0x14: {  	s23 =	simm.s32 $0x0;
	s9 =	sadd.s32 $0x1000, s0;
	s10 =	sadd.s32 $0x1800, s0  }
0x15: {  	s11 =	sadd.s32 $0x2000, s0;
	s26 =	sadd.s32 s4, s1;
	s1 =	simm.s32 $0x7  }
0x16: {  	s0 =	simm.s32 $0x8;
	[dreg:$0x4] =	wrdreg s26;
	s26 =	simm.s32 $0x2  }
.LBB2_1:
0x17: {  	s4 =	rddreg [dreg:$0x5]  }
0x18: {  	s5 =	rddreg [dreg:$0x6]  }
0x19: {  	[spmem:s13], [sflag:s5] =	dma.local [hbm:s4], $0x400  }
0x1a: {  	s4 =	rddreg [dreg:$0x7]  }
0x1b: {  	[tilespmem:s3], [sflag:$0xC] =	stream.linear.gather [hbm4b:s4+s3], $0x1900, $0x38;
	[tilespmem:$0x17C00] =	vst v63  }
0x1c: {  	_ =	swait.ge [sflag:s14], $0x1900  }
0x1d: {  	[sflag:s14] =	ssyncset.done $0x0  }
0x1e: {  	[sflag:s14] =	ssyncadd.s32 $0xFFFFE700  }
0x1f: {  	_ =	swait.ge [sflag:s15], $0x400  }
0x20: {  	[sflag:s15] =	ssyncset.done $0x0  }
0x21: {  	[sflag:s15] =	ssyncadd.s32 $0xFFFFFC00  }
0x22: {  	[bflag:$0x0] =	sbarrier.arrive $0xFFFF  }
0x23: {  	[tilespmem:s17], [sflag:$0x1] =	stream.indirect.gather [spmem:s2], $0x80, s3, s16, $0xb8;
	[tilespmem:$0x17C00] =	vst v63  }
0x24: {  	_ = 	snop  }
0x25: {  	[tilespmem:s18], [sflag:$0x2] =	stream.indirect.gather [spmem:s2], $0x80, s16, s16, $0xb8;
	[tilespmem:$0x17C00] =	vst v63  }
0x26: {  	s6 =	simm.s32 $0x100  }
0x27: {  	[tilespmem:s20], [sflag:$0x3] =	stream.indirect.gather [spmem:s2], $0x80, s6, s16, $0xb8;
	[tilespmem:$0x17C00] =	vst v63  }
0x28: {  	s8 =	simm.s32 $0x180  }
0x29: {  	[tilespmem:s22], [sflag:$0x4] =	stream.indirect.gather [spmem:s2], $0x80, s8, s16, $0xb8;
	[tilespmem:$0x17C00] =	vst v63  }
0x2a: {  	s5 =	simm.s32 $0x200  }
0x2b: {  	[tilespmem:s24], [sflag:$0x5] =	stream.indirect.gather [spmem:s2], $0x80, s5, s16, $0xb8;
	[tilespmem:$0x17C00] =	vst v63  }
0x2c: {  	_ =	swait.ge [sflag:s25], $0x4000  }
0x2d: {  	[sflag:s25] =	ssyncset.done $0x0  }
0x2e: {  	[sflag:s25] =	ssyncadd.s32 $0xFFFFC000  }
0x2f: {  	[hbm4b:s7+s3] =	stream.linear.scatter [tilespmem:s17], [sflag:$0x6], $0x4000, $0x38;
	[tilespmem:$0x17C00] =	vst v63  }
0x30: {  	_ =	swait.ge [sflag:s26], $0x4000  }
0x31: {  	[sflag:s26] =	ssyncset.done $0x0  }
0x32: {  	s6 =	rddreg [dreg:$0x8];
	[sflag:s26] =	ssyncadd.s32 $0xFFFFC000  }
0x33: {  	[hbm4b:s6+s3] =	stream.linear.scatter [tilespmem:s18], [sflag:$0x7], $0x4000, $0x38;
	[tilespmem:$0x17C00] =	vst v63  }
0x34: {  	_ =	swait.ge [sflag:s28], $0x4000  }
0x35: {  	[sflag:s28] =	ssyncset.done $0x0  }
0x36: {  	[sflag:s28] =	ssyncadd.s32 $0xFFFFC000  }
0x37: {  	[hbm4b:s9+s3] =	stream.linear.scatter [tilespmem:s20], [sflag:$0x8], $0x4000, $0x38;
	[tilespmem:$0x17C00] =	vst v63  }
0x38: {  	_ =	swait.ge [sflag:s29], $0x4000  }
0x39: {  	[sflag:s29] =	ssyncset.done $0x0  }
0x3a: {  	[sflag:s29] =	ssyncadd.s32 $0xFFFFC000  }
0x3b: {  	[hbm4b:s10+s3] =	stream.linear.scatter [tilespmem:s22], [sflag:$0x9], $0x4000, $0x38;
	[tilespmem:$0x17C00] =	vst v63  }
0x3c: {  	_ =	swait.ge [sflag:s30], $0x4000  }
0x3d: {  	[sflag:s30] =	ssyncset.done $0x0  }
0x3e: {  	[sflag:s30] =	ssyncadd.s32 $0xFFFFC000  }
0x3f: {  	[hbm4b:s11+s3] =	stream.linear.scatter [tilespmem:s24], [sflag:$0xA], $0x4000, $0x38;
	[tilespmem:$0x17C00] =	vst v63  }
0x40: {  	_ =	swait.ge [sflag:s31], $0x4000  }
0x41: {  	[sflag:s31] =	ssyncset.done $0x0  }
0x42: {  	s8 =	simm.s32 $0x280;
	[sflag:s31] =	ssyncadd.s32 $0xFFFFC000  }
0x43: {  	[tilespmem:s17], [sflag:$0x1] =	stream.indirect.gather [spmem:s2], $0x80, s8, s16, $0xb8;
	[tilespmem:$0x17C00] =	vst v63  }
0x44: {  	_ =	swait.ge [sflag:s1], $0x4000  }
0x45: {  	[sflag:s1] =	ssyncset.done $0x0  }
0x46: {  	s5 =	simm.s32 $0x300;
	[sflag:s1] =	ssyncadd.s32 $0xFFFFC000  }
0x47: {  	[tilespmem:s18], [sflag:$0x2] =	stream.indirect.gather [spmem:s2], $0x80, s5, s16, $0xb8;
	[tilespmem:$0x17C00] =	vst v63  }
0x48: {  	_ =	swait.ge [sflag:s0], $0x4000  }
0x49: {  	[sflag:s0] =	ssyncset.done $0x0  }
0x4a: {  	s6 =	simm.s32 $0x380;
	[sflag:s0] =	ssyncadd.s32 $0xFFFFC000  }
0x4b: {  	[tilespmem:s20], [sflag:$0x3] =	stream.indirect.gather [spmem:s2], $0x80, s6, s16, $0xb8;
	[tilespmem:$0x17C00] =	vst v63  }
0x4c: {  	_ =	swait.ge [sflag:s19], $0x4000  }
0x4d: {  	[sflag:s19] =	ssyncset.done $0x0  }
0x4e: {  	s8 =	simm.s32 $0x400;
	[sflag:s19] =	ssyncadd.s32 $0xFFFFC000  }
0x4f: {  	[tilespmem:s22], [sflag:$0x4] =	stream.indirect.gather [spmem:s2], $0x80, s8, s16, $0xb8;
	[tilespmem:$0x17C00] =	vst v63  }
0x50: {  	_ =	swait.ge [sflag:s21], $0x4000  }
0x51: {  	[sflag:s21] =	ssyncset.done $0x0  }
0x52: {  	s5 =	simm.s32 $0x480;
	[sflag:s21] =	ssyncadd.s32 $0xFFFFC000  }
0x53: {  	[tilespmem:s24], [sflag:$0x5] =	stream.indirect.gather [spmem:s2], $0x80, s5, s16, $0xb8;
	[tilespmem:$0x17C00] =	vst v63  }
0x54: {  	_ =	swait.ge [sflag:s25], $0x4000  }
0x55: {  	s6 =	rddreg [dreg:$0x4]  }
0x56: {  	[sflag:s25] =	ssyncset.done $0x0;
	s5 =	sadd.s32 $0x0, s6  }
0x57: {  	[sflag:s25] =	ssyncadd.s32 $0xFFFFC000;
	s4 =	sadd.s32 $0x2800, s5  }
0x58: {  	[hbm4b:s4+s3] =	stream.linear.scatter [tilespmem:s17], [sflag:$0x6], $0x4000, $0x38;
	[tilespmem:$0x17C00] =	vst v63  }
0x59: {  	_ =	swait.ge [sflag:s26], $0x4000  }
0x5a: {  	[sflag:s26] =	ssyncset.done $0x0  }
0x5b: {  	s8 =	sadd.s32 $0x3000, s5;
	[sflag:s26] =	ssyncadd.s32 $0xFFFFC000  }
0x5c: {  	[hbm4b:s8+s3] =	stream.linear.scatter [tilespmem:s18], [sflag:$0x7], $0x4000, $0x38;
	[tilespmem:$0x17C00] =	vst v63  }
0x5d: {  	_ =	swait.ge [sflag:s28], $0x4000  }
0x5e: {  	[sflag:s28] =	ssyncset.done $0x0  }
0x5f: {  	s6 =	sadd.s32 $0x3800, s5;
	[sflag:s28] =	ssyncadd.s32 $0xFFFFC000  }
0x60: {  	[hbm4b:s6+s3] =	stream.linear.scatter [tilespmem:s20], [sflag:$0x8], $0x4000, $0x38;
	[tilespmem:$0x17C00] =	vst v63  }
0x61: {  	_ =	swait.ge [sflag:s29], $0x4000  }
0x62: {  	[sflag:s29] =	ssyncset.done $0x0  }
0x63: {  	s8 =	sadd.s32 $0x4000, s5;
	[sflag:s29] =	ssyncadd.s32 $0xFFFFC000  }
0x64: {  	[hbm4b:s8+s3] =	stream.linear.scatter [tilespmem:s22], [sflag:$0x9], $0x4000, $0x38;
	[tilespmem:$0x17C00] =	vst v63  }
0x65: {  	_ =	swait.ge [sflag:s30], $0x4000  }
0x66: {  	s4 =	simm.s32 $0x2800;
	[sflag:s30] =	ssyncset.done $0x0  }
0x67: {  	s6 =	sadd.s32 $0x4800, s5;
	s5 =	simm.s32 $0x700;
	[sflag:s30] =	ssyncadd.s32 $0xFFFFC000  }
.LBB2_2:
0x68: {  	[hbm4b:s6+s3] =	stream.linear.scatter [tilespmem:s24], [sflag:$0xA], $0x4000, $0x38;
	[tilespmem:$0x17C00] =	vst v63  }
0x69: {  	_ =	swait.ge [sflag:s31], $0x4000  }
0x6a: {  	[sflag:s31] =	ssyncset.done $0x0  }
0x6b: {  	s8 =	sadd.s32 $0xFFFFFE00, s5;
	[sflag:s31] =	ssyncadd.s32 $0xFFFFC000  }
0x6c: {  	[tilespmem:s17], [sflag:$0x1] =	stream.indirect.gather [spmem:s2], $0x80, s8, s16, $0xb8;
	[tilespmem:$0x17C00] =	vst v63  }
0x6d: {  	_ =	swait.ge [sflag:s1], $0x4000  }
0x6e: {  	[sflag:s1] =	ssyncset.done $0x0  }
0x6f: {  	s8 =	sadd.s32 $0xFFFFFE80, s5;
	[sflag:s1] =	ssyncadd.s32 $0xFFFFC000  }
0x70: {  	[tilespmem:s18], [sflag:$0x2] =	stream.indirect.gather [spmem:s2], $0x80, s8, s16, $0xb8;
	[tilespmem:$0x17C00] =	vst v63  }
0x71: {  	_ =	swait.ge [sflag:s0], $0x4000  }
0x72: {  	[sflag:s0] =	ssyncset.done $0x0  }
0x73: {  	s8 =	sadd.s32 $0xFFFFFF00, s5;
	[sflag:s0] =	ssyncadd.s32 $0xFFFFC000  }
0x74: {  	[tilespmem:s20], [sflag:$0x3] =	stream.indirect.gather [spmem:s2], $0x80, s8, s16, $0xb8;
	[tilespmem:$0x17C00] =	vst v63  }
0x75: {  	_ =	swait.ge [sflag:s19], $0x4000  }
0x76: {  	[sflag:s19] =	ssyncset.done $0x0  }
0x77: {  	s8 =	sadd.s32 $0xFFFFFF80, s5;
	[sflag:s19] =	ssyncadd.s32 $0xFFFFC000  }
0x78: {  	[tilespmem:s22], [sflag:$0x4] =	stream.indirect.gather [spmem:s2], $0x80, s8, s16, $0xb8;
	[tilespmem:$0x17C00] =	vst v63  }
0x79: {  	_ =	swait.ge [sflag:s21], $0x4000  }
0x7a: {  	[sflag:s21] =	ssyncset.done $0x0  }
0x7b: {  	[sflag:s21] =	ssyncadd.s32 $0xFFFFC000  }
0x7c: {  	[tilespmem:s24], [sflag:$0x5] =	stream.indirect.gather [spmem:s2], $0x80, s5, s16, $0xb8;
	[tilespmem:$0x17C00] =	vst v63  }
0x7d: {  	_ =	swait.ge [sflag:s25], $0x4000  }
0x7e: {  	s6 =	smov.u32 s4;
	s8 =	rddreg [dreg:$0x4]  }
0x7f: {  	[sflag:s25] =	ssyncset.done $0x0;
	s6 =	sadd.s32 s6, s8  }
0x80: {  	[sflag:s25] =	ssyncadd.s32 $0xFFFFC000;
	s8 =	sadd.s32 $0x2800, s6  }
0x81: {  	[hbm4b:s8+s3] =	stream.linear.scatter [tilespmem:s17], [sflag:$0x6], $0x4000, $0x38;
	[tilespmem:$0x17C00] =	vst v63  }
0x82: {  	_ =	swait.ge [sflag:s26], $0x4000  }
0x83: {  	[sflag:s26] =	ssyncset.done $0x0  }
0x84: {  	s8 =	sadd.s32 $0x3000, s6;
	[sflag:s26] =	ssyncadd.s32 $0xFFFFC000  }
0x85: {  	[hbm4b:s8+s3] =	stream.linear.scatter [tilespmem:s18], [sflag:$0x7], $0x4000, $0x38;
	[tilespmem:$0x17C00] =	vst v63  }
0x86: {  	_ =	swait.ge [sflag:s28], $0x4000  }
0x87: {  	[sflag:s28] =	ssyncset.done $0x0  }
0x88: {  	s8 =	sadd.s32 $0x3800, s6;
	[sflag:s28] =	ssyncadd.s32 $0xFFFFC000  }
0x89: {  	[hbm4b:s8+s3] =	stream.linear.scatter [tilespmem:s20], [sflag:$0x8], $0x4000, $0x38;
	[tilespmem:$0x17C00] =	vst v63  }
0x8a: {  	_ =	swait.ge [sflag:s29], $0x4000  }
0x8b: {  	p0 =	sne.s32 s4, $0x14000;
	[sflag:s29] =	ssyncset.done $0x0  }
.Ltmp0:
0x8c: {  	s8 =	sadd.s32 $0x4000, s6;
	[sflag:s29] =	ssyncadd.s32 $0xFFFFC000;
	(pc) =	sbr.rel @p0 .LBB2_2-.Ltmp0, $4  }
0x8d: {  	[hbm4b:s8+s3] =	stream.linear.scatter [tilespmem:s22], [sflag:$0x9], $0x4000, $0x38;
	[tilespmem:$0x17C00] =	vst v63  }
0x8e: {  	_ =	swait.ge [sflag:s30], $0x4000  }
0x8f: {  	s4 =	sadd.s32 $0x2800, s4;
	[sflag:s30] =	ssyncset.done $0x0  }
0x90: {  	s5 =	sadd.s32 $0x280, s5;
	s6 =	sadd.s32 $0x4800, s6;
	[sflag:s30] =	ssyncadd.s32 $0xFFFFC000  }
0x91: {  	[hbm4b:s6+s3] =	stream.linear.scatter [tilespmem:s24], [sflag:$0xA], $0x4000, $0x38;
	[tilespmem:$0x17C00] =	vst v63  }
0x92: {  	_ =	swait.ge [sflag:s31], $0x4000  }
0x93: {  	[sflag:s31] =	ssyncset.done $0x0  }
0x94: {  	[sflag:s31] =	ssyncadd.s32 $0xFFFFC000  }
0x95: {  	_ =	swait.ge [sflag:s1], $0x4000  }
0x96: {  	[sflag:s1] =	ssyncset.done $0x0  }
0x97: {  	[sflag:s1] =	ssyncadd.s32 $0xFFFFC000  }
0x98: {  	_ =	swait.ge [sflag:s0], $0x4000  }
0x99: {  	[sflag:s0] =	ssyncset.done $0x0  }
0x9a: {  	s23 =	sadd.s32 $0x1, s23;
	[sflag:s0] =	ssyncadd.s32 $0xFFFFC000  }
0x9b: {  	p0 =	sne.s32 s23, s12;
	_ =	swait.ge [sflag:s19], $0x4000  }
.Ltmp1:
0x9c: {  	[sflag:s19] =	ssyncset.done $0x0;
	(pc) =	sbr.rel @p0 .LBB2_1-.Ltmp1, $4  }
0x9d: {  	[sflag:s19] =	ssyncadd.s32 $0xFFFFC000  }
0x9e: {  	_ =	swait.ge [sflag:s21], $0x4000  }
0x9f: {  	[sflag:s21] =	ssyncset.done $0x0  }
0xa0: {  	[sflag:s21] =	ssyncadd.s32 $0xFFFFC000  }
0xa1: {  	_ =	sfence.sel $0x180000  }
0xa2: {  	[bflag:$0x0] =	sbarrier.arrive $0xFFFF  }
0xa3: {  	_ =	strace $0x90000047  }
0xa4: {  	s0 =	stileid.u32;
	[bflag:$0x2] =	sbarrier.arrive $0xFFFF  }
0xa5: {  	p0 =	sne.s32 s0, $0x0;
	s0 =	rddreg [dreg:$0x3]  }
0xa6: {  	s0 =	sadd.s32 @!p0 $0x100000, s0  }
0xa7: {  	[sflag:s0] =	ssyncadd.tile.s32 @!p0 $0x1;
	_ =	shalt  }
.Lfunc_end2:
_tile_overlayer_lowered:
.L_overlay_start_2:
0xa8: {  	(tag) =	ssettag $0x2  }
0xa9: {  	s0 =	rddreg [dreg:$0x0];
	s2 =	stileid.u32  }
0xaa: {  	s1 =	rddreg [dreg:$0x1];
	p0 =	sne.s32 s2, $0x0  }
0xab: {  	s3 =	rddreg [dreg:$0x2];
	[bflag:$0x3] =	sbarrier.arrive $0xFFFF;
	s2 =	simm.s32 @!p0 $0x1C0C  }
0xac: {  	[timem:s3], [sflag:s2] =	dma.local @!p0 [hbm:s0], s1  }
0xad: {  	s0 =	simm.s32 @!p0 $0xC  }
0xae: {  	_ =	swait.ge @!p0 [sflag:s0], s1  }
0xaf: {  	s1 =	ssub.s32 @!p0 $0x0, s1;
	[sflag:s0] =	ssyncset.done @!p0 $0x0  }
0xb0: {  	[sflag:s0] =	ssyncadd.s32 @!p0 s1  }
0xb1: {  	[bflag:$0x3] =	sbarrier.arrive $0xFFFF  }
0xb2: {  	_ =	shalt  }

</sc_bundles>
